<compile_context>
chip_gen: v7x
topology: tpu7x:2x2x1
jax: 0.10.2.dev20260603
libtpu: 0.0.44.dev20260713+nightly
codegen_flags: <defaults>
</compile_context>

<pallas_src>
import functools

import jax
import jax.numpy as jnp
from jax import lax
from jax.experimental import pallas as pl
from jax.experimental.pallas import tpu as pltpu
from jax.experimental.pallas import tpu_sc as plsc

NC = 2
NS = 16
NW = NC * NS
LANES = 16


def _compute_y(x, weight, bias, bn):
    n, d_in = x.shape
    t, d_out, _ = weight.shape

    def body(x_ref, w_ref, b_ref, y_ref):
        for ti in range(t):
            y = lax.dot_general(
                x_ref[...], w_ref[ti],
                dimension_numbers=(((1,), (1,)), ((), ())),
                preferred_element_type=jnp.float32,
            )
            y_ref[ti] = y + b_ref[ti]

    return pl.pallas_call(
        body,
        grid=(n // bn,),
        in_specs=[
            pl.BlockSpec((bn, d_in), lambda i: (i, 0)),
            pl.BlockSpec((t, d_out, d_in), lambda i: (0, 0, 0)),
            pl.BlockSpec((t, 1, d_out), lambda i: (0, 0, 0)),
        ],
        out_specs=pl.BlockSpec((t, bn, d_out), lambda i: (0, i, 0)),
        out_shape=jax.ShapeDtypeStruct((t, n, d_out), jnp.float32),
    )(x, weight, bias.reshape(t, 1, d_out))


def _pidx_call(edge_index, edge_type, n_nodes):
    e = edge_type.shape[0]
    rows, cols = e // 1280, 1280
    ei3 = edge_index.reshape(2, rows, cols)
    et2 = edge_type.reshape(rows, cols)

    def body(src_ref, tgt_ref, et_ref, o_ref):
        o_ref[...] = ((et_ref[...] * n_nodes + src_ref[0]) * 16384
                      + tgt_ref[0])

    out = pl.pallas_call(
        body,
        grid=(1,),
        in_specs=[
            pl.BlockSpec((1, rows, cols), lambda i: (0, 0, 0)),
            pl.BlockSpec((1, rows, cols), lambda i: (1, 0, 0)),
            pl.BlockSpec((rows, cols), lambda i: (0, 0)),
        ],
        out_specs=pl.BlockSpec((rows, cols), lambda i: (0, 0)),
        out_shape=jax.ShapeDtypeStruct((rows, cols), jnp.int32),
    )(ei3, ei3, et2)
    return out.reshape(e)


def _add_body(a_ref, b_ref, o_ref):
    o_ref[...] = a_ref[...] + b_ref[...]


def _combine_partials(partial, n, d, bn):
    nb = n // bn
    return pl.pallas_call(
        _add_body,
        grid=(nb,),
        in_specs=[
            pl.BlockSpec((bn, d), lambda i: (i, 0)),
            pl.BlockSpec((bn, d), lambda i: (i + nb, 0)),
        ],
        out_specs=pl.BlockSpec((bn, d), lambda i: (i, 0)),
        out_shape=jax.ShapeDtypeStruct((n, d), jnp.float32),
    )(partial, partial)


def _sc_scatter(y2, pidx, n_nodes, d, ch):
    e = pidx.shape[0]
    epw = e // NW
    nch = epw // ch
    npairs = (nch - 1) // 2
    full = (n_nodes // NS) & ~7
    rem = n_nodes - NS * full
    nz, ztail = full // ch, full % ch
    assert full % 8 == 0 and rem % 8 == 0 and ztail % 8 == 0 and rem <= ch
    assert e % NW == 0 and epw % ch == 0 and ch % LANES == 0 and nch % 2 == 1
    mesh = plsc.VectorSubcoreMesh(
        core_axis_name="c", subcore_axis_name="s", num_cores=NC, num_subcores=NS)

    @functools.partial(
        pl.kernel,
        mesh=mesh,
        out_type=jax.ShapeDtypeStruct((NC * n_nodes, d), jnp.float32),
        compiler_params=pltpu.CompilerParams(needs_layout_passes=False),
        scratch_types=[
            pltpu.VMEM((epw,), jnp.int32),
            pltpu.VMEM((ch,), jnp.int32),
            pltpu.VMEM((ch,), jnp.int32),
            pltpu.VMEM((ch,), jnp.int32),
            pltpu.VMEM((ch,), jnp.int32),
            pltpu.VMEM((ch, d), jnp.float32),
            pltpu.VMEM((ch, d), jnp.float32),
            pltpu.VMEM((40, d), jnp.float32),
            pltpu.VMEM_SHARED((n_nodes, d), jnp.float32),
            pltpu.SemaphoreType.DMA,
            pltpu.SemaphoreType.DMA,
            pltpu.SemaphoreType.DMA,
            pltpu.SemaphoreType.DMA,
            pltpu.SemaphoreType.DMA,
            pltpu.SemaphoreType.DMA,
        ],
    )
    def k(y_h, p_h, out_h, pvm, g0, t0, g1, t1, rows0, rows1, zbuf, acc,
          sem0, sem1, ssc0, ssc1, semp, semz):
        c = lax.axis_index("c")
        s = lax.axis_index("s")
        base = (c * NS + s) * epw
        pdma = pltpu.async_copy(p_h.at[pl.ds(base, epw)], pvm, semp)

        zero = jnp.zeros((LANES,), jnp.float32)
        def zrow_body(i, carry):
            for v in range(d // LANES):
                zbuf[i, pl.ds(v * LANES, LANES)] = zero
            return carry
        lax.fori_loop(0, 40, zrow_body, 0)

        def decode(j, gt, tt):
            for v in range(ch // LANES):
                pv = pvm[pl.ds(j * ch + v * LANES, LANES)]
                gt[pl.ds(v * LANES, LANES)] = pv >> 14
                tt[pl.ds(v * LANES, LANES)] = pv & 16383

        a0 = s * full
        nzc, zt = full // 40, full % 40
        for kk in range(nzc):
            pltpu.async_copy(zbuf, acc.at[pl.ds(a0 + kk * 40, 40)], semz)
        if zt:
            pltpu.async_copy(zbuf.at[pl.ds(0, zt)],
                             acc.at[pl.ds(a0 + nzc * 40, zt)], semz)
        @pl.when(s == NS - 1)
        def _zero_tail():
            pltpu.async_copy(zbuf.at[pl.ds(0, rem)],
                             acc.at[pl.ds(NS * full, rem)], semz)

        pdma.wait()
        decode(0, g0, t0)
        pltpu.async_copy(y_h.at[g0], rows0, sem0)
        decode(1, g1, t1)
        pltpu.async_copy(y_h.at[g1], rows1, sem1)

        for kk in range(nzc):
            pltpu.make_async_copy(zbuf, acc.at[pl.ds(a0 + kk * 40, 40)],
                                  semz).wait()
        if zt:
            pltpu.make_async_copy(zbuf.at[pl.ds(0, zt)],
                                  acc.at[pl.ds(a0 + nzc * 40, zt)], semz).wait()
        @pl.when(s == NS - 1)
        def _zero_tail_wait():
            pltpu.make_async_copy(zbuf.at[pl.ds(0, rem)],
                                  acc.at[pl.ds(NS * full, rem)], semz).wait()
        plsc.subcore_barrier()

        pltpu.make_async_copy(y_h.at[g0], rows0, sem0).wait()
        pltpu.async_copy(rows0, acc.at[t0], ssc0, add=True)

        def pair(i, carry):
            j1 = 2 * i + 1
            pltpu.make_async_copy(rows0, acc.at[t0], ssc0).wait()
            decode(j1 + 1, g0, t0)
            pltpu.async_copy(y_h.at[g0], rows0, sem0)
            pltpu.make_async_copy(y_h.at[g1], rows1, sem1).wait()
            pltpu.async_copy(rows1, acc.at[t1], ssc1, add=True)
            pltpu.make_async_copy(rows1, acc.at[t1], ssc1).wait()
            @pl.when(j1 + 2 < nch)
            def _():
                decode(j1 + 2, g1, t1)
                pltpu.async_copy(y_h.at[g1], rows1, sem1)
            pltpu.make_async_copy(y_h.at[g0], rows0, sem0).wait()
            pltpu.async_copy(rows0, acc.at[t0], ssc0, add=True)
            return carry
        lax.fori_loop(0, npairs, pair, 0)
        pltpu.make_async_copy(rows0, acc.at[t0], ssc0).wait()

        plsc.subcore_barrier()
        pltpu.sync_copy(acc.at[pl.ds(a0, full)],
                        out_h.at[pl.ds(c * n_nodes + a0, full)])
        @pl.when(s == NS - 1)
        def _write_tail():
            pltpu.sync_copy(acc.at[pl.ds(NS * full, rem)],
                            out_h.at[pl.ds(c * n_nodes + NS * full, rem)])

    return k(y2, pidx)


def kernel(x, edge_index, edge_type, weight, bias):
    n, d_in = x.shape
    t, d_out, _ = weight.shape
    y = _compute_y(x, weight, bias, bn=5000)
    y2 = y.reshape(t * n, d_out)
    pidx = _pidx_call(edge_index, edge_type, n_nodes=n)
    partial = _sc_scatter(y2, pidx, n_nodes=n, d=d_out, ch=80)
    return _combine_partials(partial, n, d_out, bn=5000)

# --- scband reference (transcript-rebuilt; emitter-appended) ---
"""Pipeline reference for scband-graph-conv-21157008900459 (READ-ONLY COPY).

The authoritative reference and input builder live on the scoring server;
editing this copy changes nothing except your own understanding.
"""

import jax, jax.numpy as jnp
import numpy as np

N = 10000
E = 320000
D_IN = 128
D_OUT = 128
T = 4  # edge types (type 0 = self-loop type)


def setup_inputs(seed: int = 0) -> dict:
    key = jax.random.key(seed)
    k1, k2, k3, k4, k5 = jax.random.split(key, 5)
    x = jax.random.normal(k1, (N, D_IN), dtype=jnp.float32)
    edge_index = jax.random.randint(k2, (2, E), 0, N, dtype=jnp.int32)
    edge_type = jax.random.randint(k3, (E,), 0, T, dtype=jnp.int32)
    bound = 1.0 / np.sqrt(D_IN)  # kaiming_uniform(a=sqrt(5)) -> U(-1/sqrt(fan_in), 1/sqrt(fan_in))
    weight = jax.random.uniform(k4, (T, D_OUT, D_IN), minval=-bound, maxval=bound, dtype=jnp.float32)
    bias = jax.random.uniform(k5, (T, D_OUT), minval=-bound, maxval=bound, dtype=jnp.float32)
    return {"x": x, "edge_index": edge_index, "edge_type": edge_type, "weight": weight, "bias": bias}


def reference(x, edge_index, edge_type, weight, bias):
    # Faithful translation of GraphConv.forward(input, j=None) with self_loop=True:
    #   for each edge type: gather src features, apply per-type linear (W[t], b[t]),
    #   scatter-add messages into target nodes; sum over types.
    n_nodes = x.shape[-2]
    out_features = weight.shape[1]
    edge_types = weight.shape[0]
    output = jnp.zeros(x.shape[:-1] + (out_features,), dtype=x.dtype)
    src = edge_index[0]
    tgt = edge_index[1]
    signal = jnp.take(x, src, axis=0)                      # gather: [E, d_in]
    for typ in range(edge_types):
        mask = edge_type == typ
        message = signal @ weight[typ].T + bias[typ]       # F.linear: [E, d_out]
        message = jnp.where(mask[:, None], message, jnp.zeros_like(message))
        output = output.at[tgt].add(message)               # scatter_add over dim -2, dim_size=n_nodes
    return output

if __name__ == "__main__":
    import jax
    _d = setup_inputs()
    print(jax.jit(kernel)(*tuple(_d.values())))

</pallas_src>

<mosaic_0001>
#map = affine_map<(d0, d1) -> (0, 0)>
#map1 = affine_map<(d0, d1) -> (0)>
module attributes {stable_mosaic.version = 14 : i64} {
  func.func @k(%arg0: i32, %arg1: i32, %arg2: memref<40000x128xf32, #tpu.memory_space<hbm>>, %arg3: memref<320000xi32, #tpu.memory_space<hbm>>, %arg4: memref<20000x128xf32, #tpu.memory_space<hbm>>, %arg5: memref<10000xi32, #tpu.memory_space<vmem>>, %arg6: memref<80xi32, #tpu.memory_space<vmem>>, %arg7: memref<80xi32, #tpu.memory_space<vmem>>, %arg8: memref<80xi32, #tpu.memory_space<vmem>>, %arg9: memref<80xi32, #tpu.memory_space<vmem>>, %arg10: memref<80x128xf32, #tpu.memory_space<vmem>>, %arg11: memref<80x128xf32, #tpu.memory_space<vmem>>, %arg12: memref<40x128xf32, #tpu.memory_space<vmem>>, %arg13: memref<10000x128xf32, #tpu.memory_space<vmem_shared>>, %arg14: memref<!tpu.dma_semaphore, #tpu.memory_space<semaphore_mem>>, %arg15: memref<!tpu.dma_semaphore, #tpu.memory_space<semaphore_mem>>, %arg16: memref<!tpu.dma_semaphore, #tpu.memory_space<semaphore_mem>>, %arg17: memref<!tpu.dma_semaphore, #tpu.memory_space<semaphore_mem>>, %arg18: memref<!tpu.dma_semaphore, #tpu.memory_space<semaphore_mem>>, %arg19: memref<!tpu.dma_semaphore, #tpu.memory_space<semaphore_mem>>) attributes {dimension_semantics = [#tpu.dimension_semantics<core_parallel>, #tpu.dimension_semantics<subcore_parallel>], iteration_bounds = array<i64: 2, 16>, scalar_prefetch = 0 : i64, scratch_operands = 15 : i64, tpu.core_type = #tpu.core_type<sc_vector_subcore>, window_params = [{transform_indices = #map}, {transform_indices = #map1}, {transform_indices = #map}]} {
    %mul3A = arith.constant 16 : i32
    %mul3A_0 = arith.muli %arg0, %mul3A : i32
    %add3A = arith.addi %mul3A_0, %arg1 : i32
    %mul3A_1 = arith.constant 10000 : i32
    %mul3A_2 = arith.muli %add3A, %mul3A_1 : i32
    %dma_start3A = tpu.memref_slice %arg3[%mul3A_2] : memref<320000xi32, #tpu.memory_space<hbm>> -> memref<10000xi32, #tpu.memory_space<hbm>>
    %dma_start3A_3 = tpu.memref_slice %arg3[%mul3A_2] : memref<320000xi32, #tpu.memory_space<hbm>> -> memref<10000xi32, #tpu.memory_space<hbm>>
    tpu.enqueue_dma source(%dma_start3A_3 : memref<10000xi32, #tpu.memory_space<hbm>>) target(%arg5 : memref<10000xi32, #tpu.memory_space<vmem>>) target_semaphore(%arg18 : memref<!tpu.dma_semaphore, #tpu.memory_space<semaphore_mem>>)
    %broadcast_in_dim3A = arith.constant 0.000000e+00 : f32
    %broadcast_in_dim3A_4 = vector.broadcast %broadcast_in_dim3A : f32 to vector<16xf32>
    %scan3A = arith.constant 0 : i32
    %scan3A_5 = arith.constant 0 : i32
    %scan3A_6 = arith.constant 40 : i32
    %scan3A_7 = arith.addi %scan3A_5, %scan3A_6 : i32
    %scan3A_8 = arith.constant 1 : i32
    scf.for %scan3A_370 = %scan3A_5 to %scan3A_7 step %scan3A_8  : i32 {
      %swap3A_371 = arith.index_cast %scan3A_370 : i32 to index
      %swap3A_372 = arith.constant 0 : index
      %swap3A_373 = tpu.vector_load %arg12[%swap3A_371, %swap3A_372] {strides = array<i32>} : memref<40x128xf32, #tpu.memory_space<vmem>>, vector<16xf32>,
      tpu.vector_store %arg12[%swap3A_371, %swap3A_372], %broadcast_in_dim3A_4 {strides = array<i32>} : memref<40x128xf32, #tpu.memory_space<vmem>>, vector<16xf32>,
      %swap3A_374 = arith.index_cast %scan3A_370 : i32 to index
      %swap3A_375 = arith.constant 16 : index
      %swap3A_376 = tpu.vector_load %arg12[%swap3A_374, %swap3A_375] {strides = array<i32>} : memref<40x128xf32, #tpu.memory_space<vmem>>, vector<16xf32>,
      tpu.vector_store %arg12[%swap3A_374, %swap3A_375], %broadcast_in_dim3A_4 {strides = array<i32>} : memref<40x128xf32, #tpu.memory_space<vmem>>, vector<16xf32>,
      %swap3A_377 = arith.index_cast %scan3A_370 : i32 to index
      %swap3A_378 = arith.constant 32 : index
      %swap3A_379 = tpu.vector_load %arg12[%swap3A_377, %swap3A_378] {strides = array<i32>} : memref<40x128xf32, #tpu.memory_space<vmem>>, vector<16xf32>,
      tpu.vector_store %arg12[%swap3A_377, %swap3A_378], %broadcast_in_dim3A_4 {strides = array<i32>} : memref<40x128xf32, #tpu.memory_space<vmem>>, vector<16xf32>,
      %swap3A_380 = arith.index_cast %scan3A_370 : i32 to index
      %swap3A_381 = arith.constant 48 : index
      %swap3A_382 = tpu.vector_load %arg12[%swap3A_380, %swap3A_381] {strides = array<i32>} : memref<40x128xf32, #tpu.memory_space<vmem>>, vector<16xf32>,
      tpu.vector_store %arg12[%swap3A_380, %swap3A_381], %broadcast_in_dim3A_4 {strides = array<i32>} : memref<40x128xf32, #tpu.memory_space<vmem>>, vector<16xf32>,
      %swap3A_383 = arith.index_cast %scan3A_370 : i32 to index
      %swap3A_384 = arith.constant 64 : index
      %swap3A_385 = tpu.vector_load %arg12[%swap3A_383, %swap3A_384] {strides = array<i32>} : memref<40x128xf32, #tpu.memory_space<vmem>>, vector<16xf32>,
      tpu.vector_store %arg12[%swap3A_383, %swap3A_384], %broadcast_in_dim3A_4 {strides = array<i32>} : memref<40x128xf32, #tpu.memory_space<vmem>>, vector<16xf32>,
      %swap3A_386 = arith.index_cast %scan3A_370 : i32 to index
      %swap3A_387 = arith.constant 80 : index
      %swap3A_388 = tpu.vector_load %arg12[%swap3A_386, %swap3A_387] {strides = array<i32>} : memref<40x128xf32, #tpu.memory_space<vmem>>, vector<16xf32>,
      tpu.vector_store %arg12[%swap3A_386, %swap3A_387], %broadcast_in_dim3A_4 {strides = array<i32>} : memref<40x128xf32, #tpu.memory_space<vmem>>, vector<16xf32>,
      %swap3A_389 = arith.index_cast %scan3A_370 : i32 to index
      %swap3A_390 = arith.constant 96 : index
      %swap3A_391 = tpu.vector_load %arg12[%swap3A_389, %swap3A_390] {strides = array<i32>} : memref<40x128xf32, #tpu.memory_space<vmem>>, vector<16xf32>,
      tpu.vector_store %arg12[%swap3A_389, %swap3A_390], %broadcast_in_dim3A_4 {strides = array<i32>} : memref<40x128xf32, #tpu.memory_space<vmem>>, vector<16xf32>,
      %swap3A_392 = arith.index_cast %scan3A_370 : i32 to index
      %swap3A_393 = arith.constant 112 : index
      %swap3A_394 = tpu.vector_load %arg12[%swap3A_392, %swap3A_393] {strides = array<i32>} : memref<40x128xf32, #tpu.memory_space<vmem>>, vector<16xf32>,
      tpu.vector_store %arg12[%swap3A_392, %swap3A_393], %broadcast_in_dim3A_4 {strides = array<i32>} : memref<40x128xf32, #tpu.memory_space<vmem>>, vector<16xf32>,
    }
    %scan3A_9 = arith.constant 40 : i32
    %mul3A_10 = arith.constant 624 : i32
    %mul3A_11 = arith.muli %arg1, %mul3A_10 : i32
    %add3A_12 = arith.constant 0 : i32
    %add3A_13 = arith.addi %mul3A_11, %add3A_12 : i32
    %dma_start3A_14 = arith.constant 0 : i32
    %dma_start3A_15 = tpu.memref_slice %arg13[%add3A_13, %dma_start3A_14] : memref<10000x128xf32, #tpu.memory_space<vmem_shared>> -> memref<40x128xf32, #tpu.memory_space<vmem_shared>>
    %dma_start3A_16 = arith.constant 0 : i32
    %dma_start3A_17 = tpu.memref_slice %arg13[%add3A_13, %dma_start3A_16] : memref<10000x128xf32, #tpu.memory_space<vmem_shared>> -> memref<40x128xf32, #tpu.memory_space<vmem_shared>>
    tpu.enqueue_dma source(%arg12 : memref<40x128xf32, #tpu.memory_space<vmem>>) target(%dma_start3A_17 : memref<40x128xf32, #tpu.memory_space<vmem_shared>>) target_semaphore(%arg19 : memref<!tpu.dma_semaphore, #tpu.memory_space<semaphore_mem>>)
    %add3A_18 = arith.constant 40 : i32
    %add3A_19 = arith.addi %mul3A_11, %add3A_18 : i32
    %dma_start3A_20 = arith.constant 0 : i32
    %dma_start3A_21 = tpu.memref_slice %arg13[%add3A_19, %dma_start3A_20] : memref<10000x128xf32, #tpu.memory_space<vmem_shared>> -> memref<40x128xf32, #tpu.memory_space<vmem_shared>>
    %dma_start3A_22 = arith.constant 0 : i32
    %dma_start3A_23 = tpu.memref_slice %arg13[%add3A_19, %dma_start3A_22] : memref<10000x128xf32, #tpu.memory_space<vmem_shared>> -> memref<40x128xf32, #tpu.memory_space<vmem_shared>>
    tpu.enqueue_dma source(%arg12 : memref<40x128xf32, #tpu.memory_space<vmem>>) target(%dma_start3A_23 : memref<40x128xf32, #tpu.memory_space<vmem_shared>>) target_semaphore(%arg19 : memref<!tpu.dma_semaphore, #tpu.memory_space<semaphore_mem>>)
    %add3A_24 = arith.constant 80 : i32
    %add3A_25 = arith.addi %mul3A_11, %add3A_24 : i32
    %dma_start3A_26 = arith.constant 0 : i32
    %dma_start3A_27 = tpu.memref_slice %arg13[%add3A_25, %dma_start3A_26] : memref<10000x128xf32, #tpu.memory_space<vmem_shared>> -> memref<40x128xf32, #tpu.memory_space<vmem_shared>>
    %dma_start3A_28 = arith.constant 0 : i32
    %dma_start3A_29 = tpu.memref_slice %arg13[%add3A_25, %dma_start3A_28] : memref<10000x128xf32, #tpu.memory_space<vmem_shared>> -> memref<40x128xf32, #tpu.memory_space<vmem_shared>>
    tpu.enqueue_dma source(%arg12 : memref<40x128xf32, #tpu.memory_space<vmem>>) target(%dma_start3A_29 : memref<40x128xf32, #tpu.memory_space<vmem_shared>>) target_semaphore(%arg19 : memref<!tpu.dma_semaphore, #tpu.memory_space<semaphore_mem>>)
    %add3A_30 = arith.constant 120 : i32
    %add3A_31 = arith.addi %mul3A_11, %add3A_30 : i32
    %dma_start3A_32 = arith.constant 0 : i32
    %dma_start3A_33 = tpu.memref_slice %arg13[%add3A_31, %dma_start3A_32] : memref<10000x128xf32, #tpu.memory_space<vmem_shared>> -> memref<40x128xf32, #tpu.memory_space<vmem_shared>>
    %dma_start3A_34 = arith.constant 0 : i32
    %dma_start3A_35 = tpu.memref_slice %arg13[%add3A_31, %dma_start3A_34] : memref<10000x128xf32, #tpu.memory_space<vmem_shared>> -> memref<40x128xf32, #tpu.memory_space<vmem_shared>>
    tpu.enqueue_dma source(%arg12 : memref<40x128xf32, #tpu.memory_space<vmem>>) target(%dma_start3A_35 : memref<40x128xf32, #tpu.memory_space<vmem_shared>>) target_semaphore(%arg19 : memref<!tpu.dma_semaphore, #tpu.memory_space<semaphore_mem>>)
    %add3A_36 = arith.constant 160 : i32
    %add3A_37 = arith.addi %mul3A_11, %add3A_36 : i32
    %dma_start3A_38 = arith.constant 0 : i32
    %dma_start3A_39 = tpu.memref_slice %arg13[%add3A_37, %dma_start3A_38] : memref<10000x128xf32, #tpu.memory_space<vmem_shared>> -> memref<40x128xf32, #tpu.memory_space<vmem_shared>>
    %dma_start3A_40 = arith.constant 0 : i32
    %dma_start3A_41 = tpu.memref_slice %arg13[%add3A_37, %dma_start3A_40] : memref<10000x128xf32, #tpu.memory_space<vmem_shared>> -> memref<40x128xf32, #tpu.memory_space<vmem_shared>>
    tpu.enqueue_dma source(%arg12 : memref<40x128xf32, #tpu.memory_space<vmem>>) target(%dma_start3A_41 : memref<40x128xf32, #tpu.memory_space<vmem_shared>>) target_semaphore(%arg19 : memref<!tpu.dma_semaphore, #tpu.memory_space<semaphore_mem>>)
    %add3A_42 = arith.constant 200 : i32
    %add3A_43 = arith.addi %mul3A_11, %add3A_42 : i32
    %dma_start3A_44 = arith.constant 0 : i32
    %dma_start3A_45 = tpu.memref_slice %arg13[%add3A_43, %dma_start3A_44] : memref<10000x128xf32, #tpu.memory_space<vmem_shared>> -> memref<40x128xf32, #tpu.memory_space<vmem_shared>>
    %dma_start3A_46 = arith.constant 0 : i32
    %dma_start3A_47 = tpu.memref_slice %arg13[%add3A_43, %dma_start3A_46] : memref<10000x128xf32, #tpu.memory_space<vmem_shared>> -> memref<40x128xf32, #tpu.memory_space<vmem_shared>>
    tpu.enqueue_dma source(%arg12 : memref<40x128xf32, #tpu.memory_space<vmem>>) target(%dma_start3A_47 : memref<40x128xf32, #tpu.memory_space<vmem_shared>>) target_semaphore(%arg19 : memref<!tpu.dma_semaphore, #tpu.memory_space<semaphore_mem>>)
    %add3A_48 = arith.constant 240 : i32
    %add3A_49 = arith.addi %mul3A_11, %add3A_48 : i32
    %dma_start3A_50 = arith.constant 0 : i32
    %dma_start3A_51 = tpu.memref_slice %arg13[%add3A_49, %dma_start3A_50] : memref<10000x128xf32, #tpu.memory_space<vmem_shared>> -> memref<40x128xf32, #tpu.memory_space<vmem_shared>>
    %dma_start3A_52 = arith.constant 0 : i32
    %dma_start3A_53 = tpu.memref_slice %arg13[%add3A_49, %dma_start3A_52] : memref<10000x128xf32, #tpu.memory_space<vmem_shared>> -> memref<40x128xf32, #tpu.memory_space<vmem_shared>>
    tpu.enqueue_dma source(%arg12 : memref<40x128xf32, #tpu.memory_space<vmem>>) target(%dma_start3A_53 : memref<40x128xf32, #tpu.memory_space<vmem_shared>>) target_semaphore(%arg19 : memref<!tpu.dma_semaphore, #tpu.memory_space<semaphore_mem>>)
    %add3A_54 = arith.constant 280 : i32
    %add3A_55 = arith.addi %mul3A_11, %add3A_54 : i32
    %dma_start3A_56 = arith.constant 0 : i32
    %dma_start3A_57 = tpu.memref_slice %arg13[%add3A_55, %dma_start3A_56] : memref<10000x128xf32, #tpu.memory_space<vmem_shared>> -> memref<40x128xf32, #tpu.memory_space<vmem_shared>>
    %dma_start3A_58 = arith.constant 0 : i32
    %dma_start3A_59 = tpu.memref_slice %arg13[%add3A_55, %dma_start3A_58] : memref<10000x128xf32, #tpu.memory_space<vmem_shared>> -> memref<40x128xf32, #tpu.memory_space<vmem_shared>>
    tpu.enqueue_dma source(%arg12 : memref<40x128xf32, #tpu.memory_space<vmem>>) target(%dma_start3A_59 : memref<40x128xf32, #tpu.memory_space<vmem_shared>>) target_semaphore(%arg19 : memref<!tpu.dma_semaphore, #tpu.memory_space<semaphore_mem>>)
    %add3A_60 = arith.constant 320 : i32
    %add3A_61 = arith.addi %mul3A_11, %add3A_60 : i32
    %dma_start3A_62 = arith.constant 0 : i32
    %dma_start3A_63 = tpu.memref_slice %arg13[%add3A_61, %dma_start3A_62] : memref<10000x128xf32, #tpu.memory_space<vmem_shared>> -> memref<40x128xf32, #tpu.memory_space<vmem_shared>>
    %dma_start3A_64 = arith.constant 0 : i32
    %dma_start3A_65 = tpu.memref_slice %arg13[%add3A_61, %dma_start3A_64] : memref<10000x128xf32, #tpu.memory_space<vmem_shared>> -> memref<40x128xf32, #tpu.memory_space<vmem_shared>>
    tpu.enqueue_dma source(%arg12 : memref<40x128xf32, #tpu.memory_space<vmem>>) target(%dma_start3A_65 : memref<40x128xf32, #tpu.memory_space<vmem_shared>>) target_semaphore(%arg19 : memref<!tpu.dma_semaphore, #tpu.memory_space<semaphore_mem>>)
    %add3A_66 = arith.constant 360 : i32
    %add3A_67 = arith.addi %mul3A_11, %add3A_66 : i32
    %dma_start3A_68 = arith.constant 0 : i32
    %dma_start3A_69 = tpu.memref_slice %arg13[%add3A_67, %dma_start3A_68] : memref<10000x128xf32, #tpu.memory_space<vmem_shared>> -> memref<40x128xf32, #tpu.memory_space<vmem_shared>>
    %dma_start3A_70 = arith.constant 0 : i32
    %dma_start3A_71 = tpu.memref_slice %arg13[%add3A_67, %dma_start3A_70] : memref<10000x128xf32, #tpu.memory_space<vmem_shared>> -> memref<40x128xf32, #tpu.memory_space<vmem_shared>>
    tpu.enqueue_dma source(%arg12 : memref<40x128xf32, #tpu.memory_space<vmem>>) target(%dma_start3A_71 : memref<40x128xf32, #tpu.memory_space<vmem_shared>>) target_semaphore(%arg19 : memref<!tpu.dma_semaphore, #tpu.memory_space<semaphore_mem>>)
    %add3A_72 = arith.constant 400 : i32
    %add3A_73 = arith.addi %mul3A_11, %add3A_72 : i32
    %dma_start3A_74 = arith.constant 0 : i32
    %dma_start3A_75 = tpu.memref_slice %arg13[%add3A_73, %dma_start3A_74] : memref<10000x128xf32, #tpu.memory_space<vmem_shared>> -> memref<40x128xf32, #tpu.memory_space<vmem_shared>>
    %dma_start3A_76 = arith.constant 0 : i32
    %dma_start3A_77 = tpu.memref_slice %arg13[%add3A_73, %dma_start3A_76] : memref<10000x128xf32, #tpu.memory_space<vmem_shared>> -> memref<40x128xf32, #tpu.memory_space<vmem_shared>>
    tpu.enqueue_dma source(%arg12 : memref<40x128xf32, #tpu.memory_space<vmem>>) target(%dma_start3A_77 : memref<40x128xf32, #tpu.memory_space<vmem_shared>>) target_semaphore(%arg19 : memref<!tpu.dma_semaphore, #tpu.memory_space<semaphore_mem>>)
    %add3A_78 = arith.constant 440 : i32
    %add3A_79 = arith.addi %mul3A_11, %add3A_78 : i32
    %dma_start3A_80 = arith.constant 0 : i32
    %dma_start3A_81 = tpu.memref_slice %arg13[%add3A_79, %dma_start3A_80] : memref<10000x128xf32, #tpu.memory_space<vmem_shared>> -> memref<40x128xf32, #tpu.memory_space<vmem_shared>>
    %dma_start3A_82 = arith.constant 0 : i32
    %dma_start3A_83 = tpu.memref_slice %arg13[%add3A_79, %dma_start3A_82] : memref<10000x128xf32, #tpu.memory_space<vmem_shared>> -> memref<40x128xf32, #tpu.memory_space<vmem_shared>>
    tpu.enqueue_dma source(%arg12 : memref<40x128xf32, #tpu.memory_space<vmem>>) target(%dma_start3A_83 : memref<40x128xf32, #tpu.memory_space<vmem_shared>>) target_semaphore(%arg19 : memref<!tpu.dma_semaphore, #tpu.memory_space<semaphore_mem>>)
    %add3A_84 = arith.constant 480 : i32
    %add3A_85 = arith.addi %mul3A_11, %add3A_84 : i32
    %dma_start3A_86 = arith.constant 0 : i32
    %dma_start3A_87 = tpu.memref_slice %arg13[%add3A_85, %dma_start3A_86] : memref<10000x128xf32, #tpu.memory_space<vmem_shared>> -> memref<40x128xf32, #tpu.memory_space<vmem_shared>>
    %dma_start3A_88 = arith.constant 0 : i32
    %dma_start3A_89 = tpu.memref_slice %arg13[%add3A_85, %dma_start3A_88] : memref<10000x128xf32, #tpu.memory_space<vmem_shared>> -> memref<40x128xf32, #tpu.memory_space<vmem_shared>>
    tpu.enqueue_dma source(%arg12 : memref<40x128xf32, #tpu.memory_space<vmem>>) target(%dma_start3A_89 : memref<40x128xf32, #tpu.memory_space<vmem_shared>>) target_semaphore(%arg19 : memref<!tpu.dma_semaphore, #tpu.memory_space<semaphore_mem>>)
    %add3A_90 = arith.constant 520 : i32
    %add3A_91 = arith.addi %mul3A_11, %add3A_90 : i32
    %dma_start3A_92 = arith.constant 0 : i32
    %dma_start3A_93 = tpu.memref_slice %arg13[%add3A_91, %dma_start3A_92] : memref<10000x128xf32, #tpu.memory_space<vmem_shared>> -> memref<40x128xf32, #tpu.memory_space<vmem_shared>>
    %dma_start3A_94 = arith.constant 0 : i32
    %dma_start3A_95 = tpu.memref_slice %arg13[%add3A_91, %dma_start3A_94] : memref<10000x128xf32, #tpu.memory_space<vmem_shared>> -> memref<40x128xf32, #tpu.memory_space<vmem_shared>>
    tpu.enqueue_dma source(%arg12 : memref<40x128xf32, #tpu.memory_space<vmem>>) target(%dma_start3A_95 : memref<40x128xf32, #tpu.memory_space<vmem_shared>>) target_semaphore(%arg19 : memref<!tpu.dma_semaphore, #tpu.memory_space<semaphore_mem>>)
    %add3A_96 = arith.constant 560 : i32
    %add3A_97 = arith.addi %mul3A_11, %add3A_96 : i32
    %dma_start3A_98 = arith.constant 0 : i32
    %dma_start3A_99 = tpu.memref_slice %arg13[%add3A_97, %dma_start3A_98] : memref<10000x128xf32, #tpu.memory_space<vmem_shared>> -> memref<40x128xf32, #tpu.memory_space<vmem_shared>>
    %dma_start3A_100 = arith.constant 0 : i32
    %dma_start3A_101 = tpu.memref_slice %arg13[%add3A_97, %dma_start3A_100] : memref<10000x128xf32, #tpu.memory_space<vmem_shared>> -> memref<40x128xf32, #tpu.memory_space<vmem_shared>>
    tpu.enqueue_dma source(%arg12 : memref<40x128xf32, #tpu.memory_space<vmem>>) target(%dma_start3A_101 : memref<40x128xf32, #tpu.memory_space<vmem_shared>>) target_semaphore(%arg19 : memref<!tpu.dma_semaphore, #tpu.memory_space<semaphore_mem>>)
    %add3A_102 = arith.constant 600 : i32
    %add3A_103 = arith.addi %mul3A_11, %add3A_102 : i32
    %dma_start3A_104 = arith.constant 0 : i32
    %dma_start3A_105 = arith.constant 0 : i32
    %dma_start3A_106 = tpu.memref_slice %arg12[%dma_start3A_104, %dma_start3A_105] : memref<40x128xf32, #tpu.memory_space<vmem>> -> memref<24x128xf32, #tpu.memory_space<vmem>>
    %dma_start3A_107 = arith.constant 0 : i32
    %dma_start3A_108 = tpu.memref_slice %arg13[%add3A_103, %dma_start3A_107] : memref<10000x128xf32, #tpu.memory_space<vmem_shared>> -> memref<24x128xf32, #tpu.memory_space<vmem_shared>>
    %dma_start3A_109 = arith.constant 0 : i32
    %dma_start3A_110 = tpu.memref_slice %arg13[%add3A_103, %dma_start3A_109] : memref<10000x128xf32, #tpu.memory_space<vmem_shared>> -> memref<24x128xf32, #tpu.memory_space<vmem_shared>>
    %dma_start3A_111 = arith.constant 0 : i32
    %dma_start3A_112 = arith.constant 0 : i32
    %dma_start3A_113 = tpu.memref_slice %arg12[%dma_start3A_111, %dma_start3A_112] : memref<40x128xf32, #tpu.memory_space<vmem>> -> memref<24x128xf32, #tpu.memory_space<vmem>>
    tpu.enqueue_dma source(%dma_start3A_113 : memref<24x128xf32, #tpu.memory_space<vmem>>) target(%dma_start3A_110 : memref<24x128xf32, #tpu.memory_space<vmem_shared>>) target_semaphore(%arg19 : memref<!tpu.dma_semaphore, #tpu.memory_space<semaphore_mem>>)
    %eq3A = arith.constant 15 : i32
    %eq3A_114 = arith.cmpi eq, %arg1, %eq3A : i32
    %convert_element_type3A = arith.extui %eq3A_114 : i1 to i32
    %cond3A = arith.constant 0 : i32
    %cond3A_115 = arith.cmpi ne, %convert_element_type3A, %cond3A : i32
    scf.if %cond3A_115 {
      %dma_start3A_370 = arith.constant 0 : i32
      %dma_start3A_371 = arith.constant 0 : i32
      %dma_start3A_372 = tpu.memref_slice %arg12[%dma_start3A_370, %dma_start3A_371] : memref<40x128xf32, #tpu.memory_space<vmem>> -> memref<16x128xf32, #tpu.memory_space<vmem>>
      %dma_start3A_373 = arith.constant 9984 : i32
      %dma_start3A_374 = arith.constant 0 : i32
      %dma_start3A_375 = tpu.memref_slice %arg13[%dma_start3A_373, %dma_start3A_374] : memref<10000x128xf32, #tpu.memory_space<vmem_shared>> -> memref<16x128xf32, #tpu.memory_space<vmem_shared>>
      %dma_start3A_376 = arith.constant 9984 : i32
      %dma_start3A_377 = arith.constant 0 : i32
      %dma_start3A_378 = tpu.memref_slice %arg13[%dma_start3A_376, %dma_start3A_377] : memref<10000x128xf32, #tpu.memory_space<vmem_shared>> -> memref<16x128xf32, #tpu.memory_space<vmem_shared>>
      %dma_start3A_379 = arith.constant 0 : i32
      %dma_start3A_380 = arith.constant 0 : i32
      %dma_start3A_381 = tpu.memref_slice %arg12[%dma_start3A_379, %dma_start3A_380] : memref<40x128xf32, #tpu.memory_space<vmem>> -> memref<16x128xf32, #tpu.memory_space<vmem>>
      tpu.enqueue_dma source(%dma_start3A_381 : memref<16x128xf32, #tpu.memory_space<vmem>>) target(%dma_start3A_378 : memref<16x128xf32, #tpu.memory_space<vmem_shared>>) target_semaphore(%arg19 : memref<!tpu.dma_semaphore, #tpu.memory_space<semaphore_mem>>)
    } else {
    }
    %dma_wait3A = tpu.memref_slice %arg3[%mul3A_2] : memref<320000xi32, #tpu.memory_space<hbm>> -> memref<10000xi32, #tpu.memory_space<hbm>>
    %dma_wait3A_116 = tpu.memref_slice %arg3[%mul3A_2] : memref<320000xi32, #tpu.memory_space<hbm>> -> memref<10000xi32, #tpu.memory_space<hbm>>
    tpu.wait_dma2 semaphore(%arg18 : memref<!tpu.dma_semaphore, #tpu.memory_space<semaphore_mem>>) src(%dma_wait3A_116 : memref<10000xi32, #tpu.memory_space<hbm>>) dst(%arg5 : memref<10000xi32, #tpu.memory_space<vmem>>)
    %get3A = arith.constant 0 : index
    %get3A_117 = tpu.vector_load %arg5[%get3A] {strides = array<i32>} : memref<10000xi32, #tpu.memory_space<vmem>>, vector<16xi32>,
    %shift_right_arithmetic3A = arith.constant 14 : i32
    %shift_right_arithmetic3A_118 = vector.broadcast %shift_right_arithmetic3A : i32 to vector<16xi32>
    %shift_right_arithmetic3A_119 = arith.shrsi %get3A_117, %shift_right_arithmetic3A_118 : vector<16xi32>
    %swap3A = arith.constant 0 : index
    %swap3A_120 = tpu.vector_load %arg6[%swap3A] {strides = array<i32>} : memref<80xi32, #tpu.memory_space<vmem>>, vector<16xi32>,
    tpu.vector_store %arg6[%swap3A], %shift_right_arithmetic3A_119 {strides = array<i32>} : memref<80xi32, #tpu.memory_space<vmem>>, vector<16xi32>,
    %and3A = arith.constant 16383 : i32
    %and3A_121 = vector.broadcast %and3A : i32 to vector<16xi32>
    %and3A_122 = arith.andi %get3A_117, %and3A_121 : vector<16xi32>
    %swap3A_123 = arith.constant 0 : index
    %swap3A_124 = tpu.vector_load %arg7[%swap3A_123] {strides = array<i32>} : memref<80xi32, #tpu.memory_space<vmem>>, vector<16xi32>,
    tpu.vector_store %arg7[%swap3A_123], %and3A_122 {strides = array<i32>} : memref<80xi32, #tpu.memory_space<vmem>>, vector<16xi32>,
    %get3A_125 = arith.constant 16 : index
    %get3A_126 = tpu.vector_load %arg5[%get3A_125] {strides = array<i32>} : memref<10000xi32, #tpu.memory_space<vmem>>, vector<16xi32>,
    %shift_right_arithmetic3A_127 = arith.constant 14 : i32
    %shift_right_arithmetic3A_128 = vector.broadcast %shift_right_arithmetic3A_127 : i32 to vector<16xi32>
    %shift_right_arithmetic3A_129 = arith.shrsi %get3A_126, %shift_right_arithmetic3A_128 : vector<16xi32>
    %swap3A_130 = arith.constant 16 : index
    %swap3A_131 = tpu.vector_load %arg6[%swap3A_130] {strides = array<i32>} : memref<80xi32, #tpu.memory_space<vmem>>, vector<16xi32>,
    tpu.vector_store %arg6[%swap3A_130], %shift_right_arithmetic3A_129 {strides = array<i32>} : memref<80xi32, #tpu.memory_space<vmem>>, vector<16xi32>,
    %and3A_132 = arith.constant 16383 : i32
    %and3A_133 = vector.broadcast %and3A_132 : i32 to vector<16xi32>
    %and3A_134 = arith.andi %get3A_126, %and3A_133 : vector<16xi32>
    %swap3A_135 = arith.constant 16 : index
    %swap3A_136 = tpu.vector_load %arg7[%swap3A_135] {strides = array<i32>} : memref<80xi32, #tpu.memory_space<vmem>>, vector<16xi32>,
    tpu.vector_store %arg7[%swap3A_135], %and3A_134 {strides = array<i32>} : memref<80xi32, #tpu.memory_space<vmem>>, vector<16xi32>,
    %get3A_137 = arith.constant 32 : index
    %get3A_138 = tpu.vector_load %arg5[%get3A_137] {strides = array<i32>} : memref<10000xi32, #tpu.memory_space<vmem>>, vector<16xi32>,
    %shift_right_arithmetic3A_139 = arith.constant 14 : i32
    %shift_right_arithmetic3A_140 = vector.broadcast %shift_right_arithmetic3A_139 : i32 to vector<16xi32>
    %shift_right_arithmetic3A_141 = arith.shrsi %get3A_138, %shift_right_arithmetic3A_140 : vector<16xi32>
    %swap3A_142 = arith.constant 32 : index
    %swap3A_143 = tpu.vector_load %arg6[%swap3A_142] {strides = array<i32>} : memref<80xi32, #tpu.memory_space<vmem>>, vector<16xi32>,
    tpu.vector_store %arg6[%swap3A_142], %shift_right_arithmetic3A_141 {strides = array<i32>} : memref<80xi32, #tpu.memory_space<vmem>>, vector<16xi32>,
    %and3A_144 = arith.constant 16383 : i32
    %and3A_145 = vector.broadcast %and3A_144 : i32 to vector<16xi32>
    %and3A_146 = arith.andi %get3A_138, %and3A_145 : vector<16xi32>
    %swap3A_147 = arith.constant 32 : index
    %swap3A_148 = tpu.vector_load %arg7[%swap3A_147] {strides = array<i32>} : memref<80xi32, #tpu.memory_space<vmem>>, vector<16xi32>,
    tpu.vector_store %arg7[%swap3A_147], %and3A_146 {strides = array<i32>} : memref<80xi32, #tpu.memory_space<vmem>>, vector<16xi32>,
    %get3A_149 = arith.constant 48 : index
    %get3A_150 = tpu.vector_load %arg5[%get3A_149] {strides = array<i32>} : memref<10000xi32, #tpu.memory_space<vmem>>, vector<16xi32>,
    %shift_right_arithmetic3A_151 = arith.constant 14 : i32
    %shift_right_arithmetic3A_152 = vector.broadcast %shift_right_arithmetic3A_151 : i32 to vector<16xi32>
    %shift_right_arithmetic3A_153 = arith.shrsi %get3A_150, %shift_right_arithmetic3A_152 : vector<16xi32>
    %swap3A_154 = arith.constant 48 : index
    %swap3A_155 = tpu.vector_load %arg6[%swap3A_154] {strides = array<i32>} : memref<80xi32, #tpu.memory_space<vmem>>, vector<16xi32>,
    tpu.vector_store %arg6[%swap3A_154], %shift_right_arithmetic3A_153 {strides = array<i32>} : memref<80xi32, #tpu.memory_space<vmem>>, vector<16xi32>,
    %and3A_156 = arith.constant 16383 : i32
    %and3A_157 = vector.broadcast %and3A_156 : i32 to vector<16xi32>
    %and3A_158 = arith.andi %get3A_150, %and3A_157 : vector<16xi32>
    %swap3A_159 = arith.constant 48 : index
    %swap3A_160 = tpu.vector_load %arg7[%swap3A_159] {strides = array<i32>} : memref<80xi32, #tpu.memory_space<vmem>>, vector<16xi32>,
    tpu.vector_store %arg7[%swap3A_159], %and3A_158 {strides = array<i32>} : memref<80xi32, #tpu.memory_space<vmem>>, vector<16xi32>,
    %get3A_161 = arith.constant 64 : index
    %get3A_162 = tpu.vector_load %arg5[%get3A_161] {strides = array<i32>} : memref<10000xi32, #tpu.memory_space<vmem>>, vector<16xi32>,
    %shift_right_arithmetic3A_163 = arith.constant 14 : i32
    %shift_right_arithmetic3A_164 = vector.broadcast %shift_right_arithmetic3A_163 : i32 to vector<16xi32>
    %shift_right_arithmetic3A_165 = arith.shrsi %get3A_162, %shift_right_arithmetic3A_164 : vector<16xi32>
    %swap3A_166 = arith.constant 64 : index
    %swap3A_167 = tpu.vector_load %arg6[%swap3A_166] {strides = array<i32>} : memref<80xi32, #tpu.memory_space<vmem>>, vector<16xi32>,
    tpu.vector_store %arg6[%swap3A_166], %shift_right_arithmetic3A_165 {strides = array<i32>} : memref<80xi32, #tpu.memory_space<vmem>>, vector<16xi32>,
    %and3A_168 = arith.constant 16383 : i32
    %and3A_169 = vector.broadcast %and3A_168 : i32 to vector<16xi32>
    %and3A_170 = arith.andi %get3A_162, %and3A_169 : vector<16xi32>
    %swap3A_171 = arith.constant 64 : index
    %swap3A_172 = tpu.vector_load %arg7[%swap3A_171] {strides = array<i32>} : memref<80xi32, #tpu.memory_space<vmem>>, vector<16xi32>,
    tpu.vector_store %arg7[%swap3A_171], %and3A_170 {strides = array<i32>} : memref<80xi32, #tpu.memory_space<vmem>>, vector<16xi32>,
    %dma_start3A_173 = arith.constant 0 : i32
    %dma_start3A_174 = arith.constant 0 : i32
    %dma_start3A_175 = tpu.memref_slice %arg2[%dma_start3A_173, %dma_start3A_174] : memref<40000x128xf32, #tpu.memory_space<hbm>> -> memref<40000x128xf32, #tpu.memory_space<hbm>>
    tpu.enqueue_indirect_dma source(%dma_start3A_175 : memref<40000x128xf32, #tpu.memory_space<hbm>>) target(%arg10 : memref<80x128xf32, #tpu.memory_space<vmem>>) offsets(%arg6 : memref<80xi32, #tpu.memory_space<vmem>>) semaphore(%arg14 : memref<!tpu.dma_semaphore, #tpu.memory_space<semaphore_mem>>)
    %get3A_176 = arith.constant 80 : index
    %get3A_177 = tpu.vector_load %arg5[%get3A_176] {strides = array<i32>} : memref<10000xi32, #tpu.memory_space<vmem>>, vector<16xi32>,
    %shift_right_arithmetic3A_178 = arith.constant 14 : i32
    %shift_right_arithmetic3A_179 = vector.broadcast %shift_right_arithmetic3A_178 : i32 to vector<16xi32>
    %shift_right_arithmetic3A_180 = arith.shrsi %get3A_177, %shift_right_arithmetic3A_179 : vector<16xi32>
    %swap3A_181 = arith.constant 0 : index
    %swap3A_182 = tpu.vector_load %arg8[%swap3A_181] {strides = array<i32>} : memref<80xi32, #tpu.memory_space<vmem>>, vector<16xi32>,
    tpu.vector_store %arg8[%swap3A_181], %shift_right_arithmetic3A_180 {strides = array<i32>} : memref<80xi32, #tpu.memory_space<vmem>>, vector<16xi32>,
    %and3A_183 = arith.constant 16383 : i32
    %and3A_184 = vector.broadcast %and3A_183 : i32 to vector<16xi32>
    %and3A_185 = arith.andi %get3A_177, %and3A_184 : vector<16xi32>
    %swap3A_186 = arith.constant 0 : index
    %swap3A_187 = tpu.vector_load %arg9[%swap3A_186] {strides = array<i32>} : memref<80xi32, #tpu.memory_space<vmem>>, vector<16xi32>,
    tpu.vector_store %arg9[%swap3A_186], %and3A_185 {strides = array<i32>} : memref<80xi32, #tpu.memory_space<vmem>>, vector<16xi32>,
    %get3A_188 = arith.constant 96 : index
    %get3A_189 = tpu.vector_load %arg5[%get3A_188] {strides = array<i32>} : memref<10000xi32, #tpu.memory_space<vmem>>, vector<16xi32>,
    %shift_right_arithmetic3A_190 = arith.constant 14 : i32
    %shift_right_arithmetic3A_191 = vector.broadcast %shift_right_arithmetic3A_190 : i32 to vector<16xi32>
    %shift_right_arithmetic3A_192 = arith.shrsi %get3A_189, %shift_right_arithmetic3A_191 : vector<16xi32>
    %swap3A_193 = arith.constant 16 : index
    %swap3A_194 = tpu.vector_load %arg8[%swap3A_193] {strides = array<i32>} : memref<80xi32, #tpu.memory_space<vmem>>, vector<16xi32>,
    tpu.vector_store %arg8[%swap3A_193], %shift_right_arithmetic3A_192 {strides = array<i32>} : memref<80xi32, #tpu.memory_space<vmem>>, vector<16xi32>,
    %and3A_195 = arith.constant 16383 : i32
    %and3A_196 = vector.broadcast %and3A_195 : i32 to vector<16xi32>
    %and3A_197 = arith.andi %get3A_189, %and3A_196 : vector<16xi32>
    %swap3A_198 = arith.constant 16 : index
    %swap3A_199 = tpu.vector_load %arg9[%swap3A_198] {strides = array<i32>} : memref<80xi32, #tpu.memory_space<vmem>>, vector<16xi32>,
    tpu.vector_store %arg9[%swap3A_198], %and3A_197 {strides = array<i32>} : memref<80xi32, #tpu.memory_space<vmem>>, vector<16xi32>,
    %get3A_200 = arith.constant 112 : index
    %get3A_201 = tpu.vector_load %arg5[%get3A_200] {strides = array<i32>} : memref<10000xi32, #tpu.memory_space<vmem>>, vector<16xi32>,
    %shift_right_arithmetic3A_202 = arith.constant 14 : i32
    %shift_right_arithmetic3A_203 = vector.broadcast %shift_right_arithmetic3A_202 : i32 to vector<16xi32>
    %shift_right_arithmetic3A_204 = arith.shrsi %get3A_201, %shift_right_arithmetic3A_203 : vector<16xi32>
    %swap3A_205 = arith.constant 32 : index
    %swap3A_206 = tpu.vector_load %arg8[%swap3A_205] {strides = array<i32>} : memref<80xi32, #tpu.memory_space<vmem>>, vector<16xi32>,
    tpu.vector_store %arg8[%swap3A_205], %shift_right_arithmetic3A_204 {strides = array<i32>} : memref<80xi32, #tpu.memory_space<vmem>>, vector<16xi32>,
    %and3A_207 = arith.constant 16383 : i32
    %and3A_208 = vector.broadcast %and3A_207 : i32 to vector<16xi32>
    %and3A_209 = arith.andi %get3A_201, %and3A_208 : vector<16xi32>
    %swap3A_210 = arith.constant 32 : index
    %swap3A_211 = tpu.vector_load %arg9[%swap3A_210] {strides = array<i32>} : memref<80xi32, #tpu.memory_space<vmem>>, vector<16xi32>,
    tpu.vector_store %arg9[%swap3A_210], %and3A_209 {strides = array<i32>} : memref<80xi32, #tpu.memory_space<vmem>>, vector<16xi32>,
    %get3A_212 = arith.constant 128 : index
    %get3A_213 = tpu.vector_load %arg5[%get3A_212] {strides = array<i32>} : memref<10000xi32, #tpu.memory_space<vmem>>, vector<16xi32>,
    %shift_right_arithmetic3A_214 = arith.constant 14 : i32
    %shift_right_arithmetic3A_215 = vector.broadcast %shift_right_arithmetic3A_214 : i32 to vector<16xi32>
    %shift_right_arithmetic3A_216 = arith.shrsi %get3A_213, %shift_right_arithmetic3A_215 : vector<16xi32>
    %swap3A_217 = arith.constant 48 : index
    %swap3A_218 = tpu.vector_load %arg8[%swap3A_217] {strides = array<i32>} : memref<80xi32, #tpu.memory_space<vmem>>, vector<16xi32>,
    tpu.vector_store %arg8[%swap3A_217], %shift_right_arithmetic3A_216 {strides = array<i32>} : memref<80xi32, #tpu.memory_space<vmem>>, vector<16xi32>,
    %and3A_219 = arith.constant 16383 : i32
    %and3A_220 = vector.broadcast %and3A_219 : i32 to vector<16xi32>
    %and3A_221 = arith.andi %get3A_213, %and3A_220 : vector<16xi32>
    %swap3A_222 = arith.constant 48 : index
    %swap3A_223 = tpu.vector_load %arg9[%swap3A_222] {strides = array<i32>} : memref<80xi32, #tpu.memory_space<vmem>>, vector<16xi32>,
    tpu.vector_store %arg9[%swap3A_222], %and3A_221 {strides = array<i32>} : memref<80xi32, #tpu.memory_space<vmem>>, vector<16xi32>,
    %get3A_224 = arith.constant 144 : index
    %get3A_225 = tpu.vector_load %arg5[%get3A_224] {strides = array<i32>} : memref<10000xi32, #tpu.memory_space<vmem>>, vector<16xi32>,
    %shift_right_arithmetic3A_226 = arith.constant 14 : i32
    %shift_right_arithmetic3A_227 = vector.broadcast %shift_right_arithmetic3A_226 : i32 to vector<16xi32>
    %shift_right_arithmetic3A_228 = arith.shrsi %get3A_225, %shift_right_arithmetic3A_227 : vector<16xi32>
    %swap3A_229 = arith.constant 64 : index
    %swap3A_230 = tpu.vector_load %arg8[%swap3A_229] {strides = array<i32>} : memref<80xi32, #tpu.memory_space<vmem>>, vector<16xi32>,
    tpu.vector_store %arg8[%swap3A_229], %shift_right_arithmetic3A_228 {strides = array<i32>} : memref<80xi32, #tpu.memory_space<vmem>>, vector<16xi32>,
    %and3A_231 = arith.constant 16383 : i32
    %and3A_232 = vector.broadcast %and3A_231 : i32 to vector<16xi32>
    %and3A_233 = arith.andi %get3A_225, %and3A_232 : vector<16xi32>
    %swap3A_234 = arith.constant 64 : index
    %swap3A_235 = tpu.vector_load %arg9[%swap3A_234] {strides = array<i32>} : memref<80xi32, #tpu.memory_space<vmem>>, vector<16xi32>,
    tpu.vector_store %arg9[%swap3A_234], %and3A_233 {strides = array<i32>} : memref<80xi32, #tpu.memory_space<vmem>>, vector<16xi32>,
    %dma_start3A_236 = arith.constant 0 : i32
    %dma_start3A_237 = arith.constant 0 : i32
    %dma_start3A_238 = tpu.memref_slice %arg2[%dma_start3A_236, %dma_start3A_237] : memref<40000x128xf32, #tpu.memory_space<hbm>> -> memref<40000x128xf32, #tpu.memory_space<hbm>>
    tpu.enqueue_indirect_dma source(%dma_start3A_238 : memref<40000x128xf32, #tpu.memory_space<hbm>>) target(%arg11 : memref<80x128xf32, #tpu.memory_space<vmem>>) offsets(%arg8 : memref<80xi32, #tpu.memory_space<vmem>>) semaphore(%arg15 : memref<!tpu.dma_semaphore, #tpu.memory_space<semaphore_mem>>)
    %add3A_239 = arith.constant 0 : i32
    %add3A_240 = arith.addi %mul3A_11, %add3A_239 : i32
    %dma_wait3A_241 = arith.constant 0 : i32
    %dma_wait3A_242 = tpu.memref_slice %arg13[%add3A_240, %dma_wait3A_241] : memref<10000x128xf32, #tpu.memory_space<vmem_shared>> -> memref<40x128xf32, #tpu.memory_space<vmem_shared>>
    %dma_wait3A_243 = arith.constant 0 : i32
    %dma_wait3A_244 = tpu.memref_slice %arg13[%add3A_240, %dma_wait3A_243] : memref<10000x128xf32, #tpu.memory_space<vmem_shared>> -> memref<40x128xf32, #tpu.memory_space<vmem_shared>>
    tpu.wait_dma2 semaphore(%arg19 : memref<!tpu.dma_semaphore, #tpu.memory_space<semaphore_mem>>) src(%arg12 : memref<40x128xf32, #tpu.memory_space<vmem>>) dst(%dma_wait3A_244 : memref<40x128xf32, #tpu.memory_space<vmem_shared>>)
    %add3A_245 = arith.constant 40 : i32
    %add3A_246 = arith.addi %mul3A_11, %add3A_245 : i32
    %dma_wait3A_247 = arith.constant 0 : i32
    %dma_wait3A_248 = tpu.memref_slice %arg13[%add3A_246, %dma_wait3A_247] : memref<10000x128xf32, #tpu.memory_space<vmem_shared>> -> memref<40x128xf32, #tpu.memory_space<vmem_shared>>
    %dma_wait3A_249 = arith.constant 0 : i32
    %dma_wait3A_250 = tpu.memref_slice %arg13[%add3A_246, %dma_wait3A_249] : memref<10000x128xf32, #tpu.memory_space<vmem_shared>> -> memref<40x128xf32, #tpu.memory_space<vmem_shared>>
    tpu.wait_dma2 semaphore(%arg19 : memref<!tpu.dma_semaphore, #tpu.memory_space<semaphore_mem>>) src(%arg12 : memref<40x128xf32, #tpu.memory_space<vmem>>) dst(%dma_wait3A_250 : memref<40x128xf32, #tpu.memory_space<vmem_shared>>)
    %add3A_251 = arith.constant 80 : i32
    %add3A_252 = arith.addi %mul3A_11, %add3A_251 : i32
    %dma_wait3A_253 = arith.constant 0 : i32
    %dma_wait3A_254 = tpu.memref_slice %arg13[%add3A_252, %dma_wait3A_253] : memref<10000x128xf32, #tpu.memory_space<vmem_shared>> -> memref<40x128xf32, #tpu.memory_space<vmem_shared>>
    %dma_wait3A_255 = arith.constant 0 : i32
    %dma_wait3A_256 = tpu.memref_slice %arg13[%add3A_252, %dma_wait3A_255] : memref<10000x128xf32, #tpu.memory_space<vmem_shared>> -> memref<40x128xf32, #tpu.memory_space<vmem_shared>>
    tpu.wait_dma2 semaphore(%arg19 : memref<!tpu.dma_semaphore, #tpu.memory_space<semaphore_mem>>) src(%arg12 : memref<40x128xf32, #tpu.memory_space<vmem>>) dst(%dma_wait3A_256 : memref<40x128xf32, #tpu.memory_space<vmem_shared>>)
    %add3A_257 = arith.constant 120 : i32
    %add3A_258 = arith.addi %mul3A_11, %add3A_257 : i32
    %dma_wait3A_259 = arith.constant 0 : i32
    %dma_wait3A_260 = tpu.memref_slice %arg13[%add3A_258, %dma_wait3A_259] : memref<10000x128xf32, #tpu.memory_space<vmem_shared>> -> memref<40x128xf32, #tpu.memory_space<vmem_shared>>
    %dma_wait3A_261 = arith.constant 0 : i32
    %dma_wait3A_262 = tpu.memref_slice %arg13[%add3A_258, %dma_wait3A_261] : memref<10000x128xf32, #tpu.memory_space<vmem_shared>> -> memref<40x128xf32, #tpu.memory_space<vmem_shared>>
    tpu.wait_dma2 semaphore(%arg19 : memref<!tpu.dma_semaphore, #tpu.memory_space<semaphore_mem>>) src(%arg12 : memref<40x128xf32, #tpu.memory_space<vmem>>) dst(%dma_wait3A_262 : memref<40x128xf32, #tpu.memory_space<vmem_shared>>)
    %add3A_263 = arith.constant 160 : i32
    %add3A_264 = arith.addi %mul3A_11, %add3A_263 : i32
    %dma_wait3A_265 = arith.constant 0 : i32
    %dma_wait3A_266 = tpu.memref_slice %arg13[%add3A_264, %dma_wait3A_265] : memref<10000x128xf32, #tpu.memory_space<vmem_shared>> -> memref<40x128xf32, #tpu.memory_space<vmem_shared>>
    %dma_wait3A_267 = arith.constant 0 : i32
    %dma_wait3A_268 = tpu.memref_slice %arg13[%add3A_264, %dma_wait3A_267] : memref<10000x128xf32, #tpu.memory_space<vmem_shared>> -> memref<40x128xf32, #tpu.memory_space<vmem_shared>>
    tpu.wait_dma2 semaphore(%arg19 : memref<!tpu.dma_semaphore, #tpu.memory_space<semaphore_mem>>) src(%arg12 : memref<40x128xf32, #tpu.memory_space<vmem>>) dst(%dma_wait3A_268 : memref<40x128xf32, #tpu.memory_space<vmem_shared>>)
    %add3A_269 = arith.constant 200 : i32
    %add3A_270 = arith.addi %mul3A_11, %add3A_269 : i32
    %dma_wait3A_271 = arith.constant 0 : i32
    %dma_wait3A_272 = tpu.memref_slice %arg13[%add3A_270, %dma_wait3A_271] : memref<10000x128xf32, #tpu.memory_space<vmem_shared>> -> memref<40x128xf32, #tpu.memory_space<vmem_shared>>
    %dma_wait3A_273 = arith.constant 0 : i32
    %dma_wait3A_274 = tpu.memref_slice %arg13[%add3A_270, %dma_wait3A_273] : memref<10000x128xf32, #tpu.memory_space<vmem_shared>> -> memref<40x128xf32, #tpu.memory_space<vmem_shared>>
    tpu.wait_dma2 semaphore(%arg19 : memref<!tpu.dma_semaphore, #tpu.memory_space<semaphore_mem>>) src(%arg12 : memref<40x128xf32, #tpu.memory_space<vmem>>) dst(%dma_wait3A_274 : memref<40x128xf32, #tpu.memory_space<vmem_shared>>)
    %add3A_275 = arith.constant 240 : i32
    %add3A_276 = arith.addi %mul3A_11, %add3A_275 : i32
    %dma_wait3A_277 = arith.constant 0 : i32
    %dma_wait3A_278 = tpu.memref_slice %arg13[%add3A_276, %dma_wait3A_277] : memref<10000x128xf32, #tpu.memory_space<vmem_shared>> -> memref<40x128xf32, #tpu.memory_space<vmem_shared>>
    %dma_wait3A_279 = arith.constant 0 : i32
    %dma_wait3A_280 = tpu.memref_slice %arg13[%add3A_276, %dma_wait3A_279] : memref<10000x128xf32, #tpu.memory_space<vmem_shared>> -> memref<40x128xf32, #tpu.memory_space<vmem_shared>>
    tpu.wait_dma2 semaphore(%arg19 : memref<!tpu.dma_semaphore, #tpu.memory_space<semaphore_mem>>) src(%arg12 : memref<40x128xf32, #tpu.memory_space<vmem>>) dst(%dma_wait3A_280 : memref<40x128xf32, #tpu.memory_space<vmem_shared>>)
    %add3A_281 = arith.constant 280 : i32
    %add3A_282 = arith.addi %mul3A_11, %add3A_281 : i32
    %dma_wait3A_283 = arith.constant 0 : i32
    %dma_wait3A_284 = tpu.memref_slice %arg13[%add3A_282, %dma_wait3A_283] : memref<10000x128xf32, #tpu.memory_space<vmem_shared>> -> memref<40x128xf32, #tpu.memory_space<vmem_shared>>
    %dma_wait3A_285 = arith.constant 0 : i32
    %dma_wait3A_286 = tpu.memref_slice %arg13[%add3A_282, %dma_wait3A_285] : memref<10000x128xf32, #tpu.memory_space<vmem_shared>> -> memref<40x128xf32, #tpu.memory_space<vmem_shared>>
    tpu.wait_dma2 semaphore(%arg19 : memref<!tpu.dma_semaphore, #tpu.memory_space<semaphore_mem>>) src(%arg12 : memref<40x128xf32, #tpu.memory_space<vmem>>) dst(%dma_wait3A_286 : memref<40x128xf32, #tpu.memory_space<vmem_shared>>)
    %add3A_287 = arith.constant 320 : i32
    %add3A_288 = arith.addi %mul3A_11, %add3A_287 : i32
    %dma_wait3A_289 = arith.constant 0 : i32
    %dma_wait3A_290 = tpu.memref_slice %arg13[%add3A_288, %dma_wait3A_289] : memref<10000x128xf32, #tpu.memory_space<vmem_shared>> -> memref<40x128xf32, #tpu.memory_space<vmem_shared>>
    %dma_wait3A_291 = arith.constant 0 : i32
    %dma_wait3A_292 = tpu.memref_slice %arg13[%add3A_288, %dma_wait3A_291] : memref<10000x128xf32, #tpu.memory_space<vmem_shared>> -> memref<40x128xf32, #tpu.memory_space<vmem_shared>>
    tpu.wait_dma2 semaphore(%arg19 : memref<!tpu.dma_semaphore, #tpu.memory_space<semaphore_mem>>) src(%arg12 : memref<40x128xf32, #tpu.memory_space<vmem>>) dst(%dma_wait3A_292 : memref<40x128xf32, #tpu.memory_space<vmem_shared>>)
    %add3A_293 = arith.constant 360 : i32
    %add3A_294 = arith.addi %mul3A_11, %add3A_293 : i32
    %dma_wait3A_295 = arith.constant 0 : i32
    %dma_wait3A_296 = tpu.memref_slice %arg13[%add3A_294, %dma_wait3A_295] : memref<10000x128xf32, #tpu.memory_space<vmem_shared>> -> memref<40x128xf32, #tpu.memory_space<vmem_shared>>
    %dma_wait3A_297 = arith.constant 0 : i32
    %dma_wait3A_298 = tpu.memref_slice %arg13[%add3A_294, %dma_wait3A_297] : memref<10000x128xf32, #tpu.memory_space<vmem_shared>> -> memref<40x128xf32, #tpu.memory_space<vmem_shared>>
    tpu.wait_dma2 semaphore(%arg19 : memref<!tpu.dma_semaphore, #tpu.memory_space<semaphore_mem>>) src(%arg12 : memref<40x128xf32, #tpu.memory_space<vmem>>) dst(%dma_wait3A_298 : memref<40x128xf32, #tpu.memory_space<vmem_shared>>)
    %add3A_299 = arith.constant 400 : i32
    %add3A_300 = arith.addi %mul3A_11, %add3A_299 : i32
    %dma_wait3A_301 = arith.constant 0 : i32
    %dma_wait3A_302 = tpu.memref_slice %arg13[%add3A_300, %dma_wait3A_301] : memref<10000x128xf32, #tpu.memory_space<vmem_shared>> -> memref<40x128xf32, #tpu.memory_space<vmem_shared>>
    %dma_wait3A_303 = arith.constant 0 : i32
    %dma_wait3A_304 = tpu.memref_slice %arg13[%add3A_300, %dma_wait3A_303] : memref<10000x128xf32, #tpu.memory_space<vmem_shared>> -> memref<40x128xf32, #tpu.memory_space<vmem_shared>>
    tpu.wait_dma2 semaphore(%arg19 : memref<!tpu.dma_semaphore, #tpu.memory_space<semaphore_mem>>) src(%arg12 : memref<40x128xf32, #tpu.memory_space<vmem>>) dst(%dma_wait3A_304 : memref<40x128xf32, #tpu.memory_space<vmem_shared>>)
    %add3A_305 = arith.constant 440 : i32
    %add3A_306 = arith.addi %mul3A_11, %add3A_305 : i32
    %dma_wait3A_307 = arith.constant 0 : i32
    %dma_wait3A_308 = tpu.memref_slice %arg13[%add3A_306, %dma_wait3A_307] : memref<10000x128xf32, #tpu.memory_space<vmem_shared>> -> memref<40x128xf32, #tpu.memory_space<vmem_shared>>
    %dma_wait3A_309 = arith.constant 0 : i32
    %dma_wait3A_310 = tpu.memref_slice %arg13[%add3A_306, %dma_wait3A_309] : memref<10000x128xf32, #tpu.memory_space<vmem_shared>> -> memref<40x128xf32, #tpu.memory_space<vmem_shared>>
    tpu.wait_dma2 semaphore(%arg19 : memref<!tpu.dma_semaphore, #tpu.memory_space<semaphore_mem>>) src(%arg12 : memref<40x128xf32, #tpu.memory_space<vmem>>) dst(%dma_wait3A_310 : memref<40x128xf32, #tpu.memory_space<vmem_shared>>)
    %add3A_311 = arith.constant 480 : i32
    %add3A_312 = arith.addi %mul3A_11, %add3A_311 : i32
    %dma_wait3A_313 = arith.constant 0 : i32
    %dma_wait3A_314 = tpu.memref_slice %arg13[%add3A_312, %dma_wait3A_313] : memref<10000x128xf32, #tpu.memory_space<vmem_shared>> -> memref<40x128xf32, #tpu.memory_space<vmem_shared>>
    %dma_wait3A_315 = arith.constant 0 : i32
    %dma_wait3A_316 = tpu.memref_slice %arg13[%add3A_312, %dma_wait3A_315] : memref<10000x128xf32, #tpu.memory_space<vmem_shared>> -> memref<40x128xf32, #tpu.memory_space<vmem_shared>>
    tpu.wait_dma2 semaphore(%arg19 : memref<!tpu.dma_semaphore, #tpu.memory_space<semaphore_mem>>) src(%arg12 : memref<40x128xf32, #tpu.memory_space<vmem>>) dst(%dma_wait3A_316 : memref<40x128xf32, #tpu.memory_space<vmem_shared>>)
    %add3A_317 = arith.constant 520 : i32
    %add3A_318 = arith.addi %mul3A_11, %add3A_317 : i32
    %dma_wait3A_319 = arith.constant 0 : i32
    %dma_wait3A_320 = tpu.memref_slice %arg13[%add3A_318, %dma_wait3A_319] : memref<10000x128xf32, #tpu.memory_space<vmem_shared>> -> memref<40x128xf32, #tpu.memory_space<vmem_shared>>
    %dma_wait3A_321 = arith.constant 0 : i32
    %dma_wait3A_322 = tpu.memref_slice %arg13[%add3A_318, %dma_wait3A_321] : memref<10000x128xf32, #tpu.memory_space<vmem_shared>> -> memref<40x128xf32, #tpu.memory_space<vmem_shared>>
    tpu.wait_dma2 semaphore(%arg19 : memref<!tpu.dma_semaphore, #tpu.memory_space<semaphore_mem>>) src(%arg12 : memref<40x128xf32, #tpu.memory_space<vmem>>) dst(%dma_wait3A_322 : memref<40x128xf32, #tpu.memory_space<vmem_shared>>)
    %add3A_323 = arith.constant 560 : i32
    %add3A_324 = arith.addi %mul3A_11, %add3A_323 : i32
    %dma_wait3A_325 = arith.constant 0 : i32
    %dma_wait3A_326 = tpu.memref_slice %arg13[%add3A_324, %dma_wait3A_325] : memref<10000x128xf32, #tpu.memory_space<vmem_shared>> -> memref<40x128xf32, #tpu.memory_space<vmem_shared>>
    %dma_wait3A_327 = arith.constant 0 : i32
    %dma_wait3A_328 = tpu.memref_slice %arg13[%add3A_324, %dma_wait3A_327] : memref<10000x128xf32, #tpu.memory_space<vmem_shared>> -> memref<40x128xf32, #tpu.memory_space<vmem_shared>>
    tpu.wait_dma2 semaphore(%arg19 : memref<!tpu.dma_semaphore, #tpu.memory_space<semaphore_mem>>) src(%arg12 : memref<40x128xf32, #tpu.memory_space<vmem>>) dst(%dma_wait3A_328 : memref<40x128xf32, #tpu.memory_space<vmem_shared>>)
    %add3A_329 = arith.constant 600 : i32
    %add3A_330 = arith.addi %mul3A_11, %add3A_329 : i32
    %dma_wait3A_331 = arith.constant 0 : i32
    %dma_wait3A_332 = arith.constant 0 : i32
    %dma_wait3A_333 = tpu.memref_slice %arg12[%dma_wait3A_331, %dma_wait3A_332] : memref<40x128xf32, #tpu.memory_space<vmem>> -> memref<24x128xf32, #tpu.memory_space<vmem>>
    %dma_wait3A_334 = arith.constant 0 : i32
    %dma_wait3A_335 = tpu.memref_slice %arg13[%add3A_330, %dma_wait3A_334] : memref<10000x128xf32, #tpu.memory_space<vmem_shared>> -> memref<24x128xf32, #tpu.memory_space<vmem_shared>>
    %dma_wait3A_336 = arith.constant 0 : i32
    %dma_wait3A_337 = tpu.memref_slice %arg13[%add3A_330, %dma_wait3A_336] : memref<10000x128xf32, #tpu.memory_space<vmem_shared>> -> memref<24x128xf32, #tpu.memory_space<vmem_shared>>
    %dma_wait3A_338 = arith.constant 0 : i32
    %dma_wait3A_339 = arith.constant 0 : i32
    %dma_wait3A_340 = tpu.memref_slice %arg12[%dma_wait3A_338, %dma_wait3A_339] : memref<40x128xf32, #tpu.memory_space<vmem>> -> memref<24x128xf32, #tpu.memory_space<vmem>>
    tpu.wait_dma2 semaphore(%arg19 : memref<!tpu.dma_semaphore, #tpu.memory_space<semaphore_mem>>) src(%dma_wait3A_340 : memref<24x128xf32, #tpu.memory_space<vmem>>) dst(%dma_wait3A_337 : memref<24x128xf32, #tpu.memory_space<vmem_shared>>)
    %eq3A_341 = arith.constant 15 : i32
    %eq3A_342 = arith.cmpi eq, %arg1, %eq3A_341 : i32
    %convert_element_type3A_343 = arith.extui %eq3A_342 : i1 to i32
    %cond3A_344 = arith.constant 0 : i32
    %cond3A_345 = arith.cmpi ne, %convert_element_type3A_343, %cond3A_344 : i32
    scf.if %cond3A_345 {
      %dma_wait3A_370 = arith.constant 0 : i32
      %dma_wait3A_371 = arith.constant 0 : i32
      %dma_wait3A_372 = tpu.memref_slice %arg12[%dma_wait3A_370, %dma_wait3A_371] : memref<40x128xf32, #tpu.memory_space<vmem>> -> memref<16x128xf32, #tpu.memory_space<vmem>>
      %dma_wait3A_373 = arith.constant 9984 : i32
      %dma_wait3A_374 = arith.constant 0 : i32
      %dma_wait3A_375 = tpu.memref_slice %arg13[%dma_wait3A_373, %dma_wait3A_374] : memref<10000x128xf32, #tpu.memory_space<vmem_shared>> -> memref<16x128xf32, #tpu.memory_space<vmem_shared>>
      %dma_wait3A_376 = arith.constant 9984 : i32
      %dma_wait3A_377 = arith.constant 0 : i32
      %dma_wait3A_378 = tpu.memref_slice %arg13[%dma_wait3A_376, %dma_wait3A_377] : memref<10000x128xf32, #tpu.memory_space<vmem_shared>> -> memref<16x128xf32, #tpu.memory_space<vmem_shared>>
      %dma_wait3A_379 = arith.constant 0 : i32
      %dma_wait3A_380 = arith.constant 0 : i32
      %dma_wait3A_381 = tpu.memref_slice %arg12[%dma_wait3A_379, %dma_wait3A_380] : memref<40x128xf32, #tpu.memory_space<vmem>> -> memref<16x128xf32, #tpu.memory_space<vmem>>
      tpu.wait_dma2 semaphore(%arg19 : memref<!tpu.dma_semaphore, #tpu.memory_space<semaphore_mem>>) src(%dma_wait3A_381 : memref<16x128xf32, #tpu.memory_space<vmem>>) dst(%dma_wait3A_378 : memref<16x128xf32, #tpu.memory_space<vmem_shared>>)
    } else {
    }
    %barrier3A = arith.constant 0 : index
    tpu.barrier barrier_id(%barrier3A)
    %dma_wait3A_346 = arith.constant 0 : i32
    %dma_wait3A_347 = arith.constant 0 : i32
    %dma_wait3A_348 = tpu.memref_slice %arg2[%dma_wait3A_346, %dma_wait3A_347] : memref<40000x128xf32, #tpu.memory_space<hbm>> -> memref<40000x128xf32, #tpu.memory_space<hbm>>
    tpu.wait_indirect_dma semaphore(%arg14 : memref<!tpu.dma_semaphore, #tpu.memory_space<semaphore_mem>>) src(%dma_wait3A_348 : memref<40000x128xf32, #tpu.memory_space<hbm>>) dst(%arg10 : memref<80x128xf32, #tpu.memory_space<vmem>>)
    %dma_start3A_349 = arith.constant 0 : i32
    %dma_start3A_350 = arith.constant 0 : i32
    %dma_start3A_351 = tpu.memref_slice %arg13[%dma_start3A_349, %dma_start3A_350] : memref<10000x128xf32, #tpu.memory_space<vmem_shared>> -> memref<10000x128xf32, #tpu.memory_space<vmem_shared>>
    tpu.enqueue_indirect_dma source(%arg10 : memref<80x128xf32, #tpu.memory_space<vmem>>) target(%dma_start3A_351 : memref<10000x128xf32, #tpu.memory_space<vmem_shared>>) offsets(%arg7 : memref<80xi32, #tpu.memory_space<vmem>>) semaphore(%arg16 : memref<!tpu.dma_semaphore, #tpu.memory_space<semaphore_mem>>) {add = true}
    %scan3A_352 = arith.constant 0 : i32
    %scan3A_353 = arith.constant 0 : i32
    %scan3A_354 = arith.constant 62 : i32
    %scan3A_355 = arith.addi %scan3A_353, %scan3A_354 : i32
    %scan3A_356 = arith.constant 1 : i32
    scf.for %scan3A_370 = %scan3A_353 to %scan3A_355 step %scan3A_356  : i32 {
      %mul3A_371 = arith.constant 2 : i32
      %mul3A_372 = arith.muli %mul3A_371, %scan3A_370 : i32
      %add3A_373 = arith.constant 1 : i32
      %add3A_374 = arith.addi %mul3A_372, %add3A_373 : i32
      %dma_wait3A_375 = arith.constant 0 : i32
      %dma_wait3A_376 = arith.constant 0 : i32
      %dma_wait3A_377 = tpu.memref_slice %arg13[%dma_wait3A_375, %dma_wait3A_376] : memref<10000x128xf32, #tpu.memory_space<vmem_shared>> -> memref<10000x128xf32, #tpu.memory_space<vmem_shared>>
      tpu.wait_indirect_dma semaphore(%arg16 : memref<!tpu.dma_semaphore, #tpu.memory_space<semaphore_mem>>) src(%arg10 : memref<80x128xf32, #tpu.memory_space<vmem>>) dst(%dma_wait3A_377 : memref<10000x128xf32, #tpu.memory_space<vmem_shared>>)
      %add3A_378 = arith.constant 1 : i32
      %add3A_379 = arith.addi %add3A_374, %add3A_378 : i32
      %mul3A_380 = arith.constant 80 : i32
      %mul3A_381 = arith.muli %add3A_379, %mul3A_380 : i32
      %add3A_382 = arith.constant 0 : i32
      %add3A_383 = arith.addi %mul3A_381, %add3A_382 : i32
      %get3A_384 = arith.index_cast %add3A_383 : i32 to index
      %get3A_385 = tpu.vector_load %arg5[%get3A_384] {strides = array<i32>} : memref<10000xi32, #tpu.memory_space<vmem>>, vector<16xi32>,
      %shift_right_arithmetic3A_386 = arith.constant 14 : i32
      %shift_right_arithmetic3A_387 = vector.broadcast %shift_right_arithmetic3A_386 : i32 to vector<16xi32>
      %shift_right_arithmetic3A_388 = arith.shrsi %get3A_385, %shift_right_arithmetic3A_387 : vector<16xi32>
      %swap3A_389 = arith.constant 0 : index
      %swap3A_390 = tpu.vector_load %arg6[%swap3A_389] {strides = array<i32>} : memref<80xi32, #tpu.memory_space<vmem>>, vector<16xi32>,
      tpu.vector_store %arg6[%swap3A_389], %shift_right_arithmetic3A_388 {strides = array<i32>} : memref<80xi32, #tpu.memory_space<vmem>>, vector<16xi32>,
      %and3A_391 = arith.constant 16383 : i32
      %and3A_392 = vector.broadcast %and3A_391 : i32 to vector<16xi32>
      %and3A_393 = arith.andi %get3A_385, %and3A_392 : vector<16xi32>
      %swap3A_394 = arith.constant 0 : index
      %swap3A_395 = tpu.vector_load %arg7[%swap3A_394] {strides = array<i32>} : memref<80xi32, #tpu.memory_space<vmem>>, vector<16xi32>,
      tpu.vector_store %arg7[%swap3A_394], %and3A_393 {strides = array<i32>} : memref<80xi32, #tpu.memory_space<vmem>>, vector<16xi32>,
      %mul3A_396 = arith.constant 80 : i32
      %mul3A_397 = arith.muli %add3A_379, %mul3A_396 : i32
      %add3A_398 = arith.constant 16 : i32
      %add3A_399 = arith.addi %mul3A_397, %add3A_398 : i32
      %get3A_400 = arith.index_cast %add3A_399 : i32 to index
      %get3A_401 = tpu.vector_load %arg5[%get3A_400] {strides = array<i32>} : memref<10000xi32, #tpu.memory_space<vmem>>, vector<16xi32>,
      %shift_right_arithmetic3A_402 = arith.constant 14 : i32
      %shift_right_arithmetic3A_403 = vector.broadcast %shift_right_arithmetic3A_402 : i32 to vector<16xi32>
      %shift_right_arithmetic3A_404 = arith.shrsi %get3A_401, %shift_right_arithmetic3A_403 : vector<16xi32>
      %swap3A_405 = arith.constant 16 : index
      %swap3A_406 = tpu.vector_load %arg6[%swap3A_405] {strides = array<i32>} : memref<80xi32, #tpu.memory_space<vmem>>, vector<16xi32>,
      tpu.vector_store %arg6[%swap3A_405], %shift_right_arithmetic3A_404 {strides = array<i32>} : memref<80xi32, #tpu.memory_space<vmem>>, vector<16xi32>,
      %and3A_407 = arith.constant 16383 : i32
      %and3A_408 = vector.broadcast %and3A_407 : i32 to vector<16xi32>
      %and3A_409 = arith.andi %get3A_401, %and3A_408 : vector<16xi32>
      %swap3A_410 = arith.constant 16 : index
      %swap3A_411 = tpu.vector_load %arg7[%swap3A_410] {strides = array<i32>} : memref<80xi32, #tpu.memory_space<vmem>>, vector<16xi32>,
      tpu.vector_store %arg7[%swap3A_410], %and3A_409 {strides = array<i32>} : memref<80xi32, #tpu.memory_space<vmem>>, vector<16xi32>,
      %mul3A_412 = arith.constant 80 : i32
      %mul3A_413 = arith.muli %add3A_379, %mul3A_412 : i32
      %add3A_414 = arith.constant 32 : i32
      %add3A_415 = arith.addi %mul3A_413, %add3A_414 : i32
      %get3A_416 = arith.index_cast %add3A_415 : i32 to index
      %get3A_417 = tpu.vector_load %arg5[%get3A_416] {strides = array<i32>} : memref<10000xi32, #tpu.memory_space<vmem>>, vector<16xi32>,
      %shift_right_arithmetic3A_418 = arith.constant 14 : i32
      %shift_right_arithmetic3A_419 = vector.broadcast %shift_right_arithmetic3A_418 : i32 to vector<16xi32>
      %shift_right_arithmetic3A_420 = arith.shrsi %get3A_417, %shift_right_arithmetic3A_419 : vector<16xi32>
      %swap3A_421 = arith.constant 32 : index
      %swap3A_422 = tpu.vector_load %arg6[%swap3A_421] {strides = array<i32>} : memref<80xi32, #tpu.memory_space<vmem>>, vector<16xi32>,
      tpu.vector_store %arg6[%swap3A_421], %shift_right_arithmetic3A_420 {strides = array<i32>} : memref<80xi32, #tpu.memory_space<vmem>>, vector<16xi32>,
      %and3A_423 = arith.constant 16383 : i32
      %and3A_424 = vector.broadcast %and3A_423 : i32 to vector<16xi32>
      %and3A_425 = arith.andi %get3A_417, %and3A_424 : vector<16xi32>
      %swap3A_426 = arith.constant 32 : index
      %swap3A_427 = tpu.vector_load %arg7[%swap3A_426] {strides = array<i32>} : memref<80xi32, #tpu.memory_space<vmem>>, vector<16xi32>,
      tpu.vector_store %arg7[%swap3A_426], %and3A_425 {strides = array<i32>} : memref<80xi32, #tpu.memory_space<vmem>>, vector<16xi32>,
      %mul3A_428 = arith.constant 80 : i32
      %mul3A_429 = arith.muli %add3A_379, %mul3A_428 : i32
      %add3A_430 = arith.constant 48 : i32
      %add3A_431 = arith.addi %mul3A_429, %add3A_430 : i32
      %get3A_432 = arith.index_cast %add3A_431 : i32 to index
      %get3A_433 = tpu.vector_load %arg5[%get3A_432] {strides = array<i32>} : memref<10000xi32, #tpu.memory_space<vmem>>, vector<16xi32>,
      %shift_right_arithmetic3A_434 = arith.constant 14 : i32
      %shift_right_arithmetic3A_435 = vector.broadcast %shift_right_arithmetic3A_434 : i32 to vector<16xi32>
      %shift_right_arithmetic3A_436 = arith.shrsi %get3A_433, %shift_right_arithmetic3A_435 : vector<16xi32>
      %swap3A_437 = arith.constant 48 : index
      %swap3A_438 = tpu.vector_load %arg6[%swap3A_437] {strides = array<i32>} : memref<80xi32, #tpu.memory_space<vmem>>, vector<16xi32>,
      tpu.vector_store %arg6[%swap3A_437], %shift_right_arithmetic3A_436 {strides = array<i32>} : memref<80xi32, #tpu.memory_space<vmem>>, vector<16xi32>,
      %and3A_439 = arith.constant 16383 : i32
      %and3A_440 = vector.broadcast %and3A_439 : i32 to vector<16xi32>
      %and3A_441 = arith.andi %get3A_433, %and3A_440 : vector<16xi32>
      %swap3A_442 = arith.constant 48 : index
      %swap3A_443 = tpu.vector_load %arg7[%swap3A_442] {strides = array<i32>} : memref<80xi32, #tpu.memory_space<vmem>>, vector<16xi32>,
      tpu.vector_store %arg7[%swap3A_442], %and3A_441 {strides = array<i32>} : memref<80xi32, #tpu.memory_space<vmem>>, vector<16xi32>,
      %mul3A_444 = arith.constant 80 : i32
      %mul3A_445 = arith.muli %add3A_379, %mul3A_444 : i32
      %add3A_446 = arith.constant 64 : i32
      %add3A_447 = arith.addi %mul3A_445, %add3A_446 : i32
      %get3A_448 = arith.index_cast %add3A_447 : i32 to index
      %get3A_449 = tpu.vector_load %arg5[%get3A_448] {strides = array<i32>} : memref<10000xi32, #tpu.memory_space<vmem>>, vector<16xi32>,
      %shift_right_arithmetic3A_450 = arith.constant 14 : i32
      %shift_right_arithmetic3A_451 = vector.broadcast %shift_right_arithmetic3A_450 : i32 to vector<16xi32>
      %shift_right_arithmetic3A_452 = arith.shrsi %get3A_449, %shift_right_arithmetic3A_451 : vector<16xi32>
      %swap3A_453 = arith.constant 64 : index
      %swap3A_454 = tpu.vector_load %arg6[%swap3A_453] {strides = array<i32>} : memref<80xi32, #tpu.memory_space<vmem>>, vector<16xi32>,
      tpu.vector_store %arg6[%swap3A_453], %shift_right_arithmetic3A_452 {strides = array<i32>} : memref<80xi32, #tpu.memory_space<vmem>>, vector<16xi32>,
      %and3A_455 = arith.constant 16383 : i32
      %and3A_456 = vector.broadcast %and3A_455 : i32 to vector<16xi32>
      %and3A_457 = arith.andi %get3A_449, %and3A_456 : vector<16xi32>
      %swap3A_458 = arith.constant 64 : index
      %swap3A_459 = tpu.vector_load %arg7[%swap3A_458] {strides = array<i32>} : memref<80xi32, #tpu.memory_space<vmem>>, vector<16xi32>,
      tpu.vector_store %arg7[%swap3A_458], %and3A_457 {strides = array<i32>} : memref<80xi32, #tpu.memory_space<vmem>>, vector<16xi32>,
      %dma_start3A_460 = arith.constant 0 : i32
      %dma_start3A_461 = arith.constant 0 : i32
      %dma_start3A_462 = tpu.memref_slice %arg2[%dma_start3A_460, %dma_start3A_461] : memref<40000x128xf32, #tpu.memory_space<hbm>> -> memref<40000x128xf32, #tpu.memory_space<hbm>>
      tpu.enqueue_indirect_dma source(%dma_start3A_462 : memref<40000x128xf32, #tpu.memory_space<hbm>>) target(%arg10 : memref<80x128xf32, #tpu.memory_space<vmem>>) offsets(%arg6 : memref<80xi32, #tpu.memory_space<vmem>>) semaphore(%arg14 : memref<!tpu.dma_semaphore, #tpu.memory_space<semaphore_mem>>)
      %dma_wait3A_463 = arith.constant 0 : i32
      %dma_wait3A_464 = arith.constant 0 : i32
      %dma_wait3A_465 = tpu.memref_slice %arg2[%dma_wait3A_463, %dma_wait3A_464] : memref<40000x128xf32, #tpu.memory_space<hbm>> -> memref<40000x128xf32, #tpu.memory_space<hbm>>
      tpu.wait_indirect_dma semaphore(%arg15 : memref<!tpu.dma_semaphore, #tpu.memory_space<semaphore_mem>>) src(%dma_wait3A_465 : memref<40000x128xf32, #tpu.memory_space<hbm>>) dst(%arg11 : memref<80x128xf32, #tpu.memory_space<vmem>>)
      %dma_start3A_466 = arith.constant 0 : i32
      %dma_start3A_467 = arith.constant 0 : i32
      %dma_start3A_468 = tpu.memref_slice %arg13[%dma_start3A_466, %dma_start3A_467] : memref<10000x128xf32, #tpu.memory_space<vmem_shared>> -> memref<10000x128xf32, #tpu.memory_space<vmem_shared>>
      tpu.enqueue_indirect_dma source(%arg11 : memref<80x128xf32, #tpu.memory_space<vmem>>) target(%dma_start3A_468 : memref<10000x128xf32, #tpu.memory_space<vmem_shared>>) offsets(%arg9 : memref<80xi32, #tpu.memory_space<vmem>>) semaphore(%arg17 : memref<!tpu.dma_semaphore, #tpu.memory_space<semaphore_mem>>) {add = true}
      %dma_wait3A_469 = arith.constant 0 : i32
      %dma_wait3A_470 = arith.constant 0 : i32
      %dma_wait3A_471 = tpu.memref_slice %arg13[%dma_wait3A_469, %dma_wait3A_470] : memref<10000x128xf32, #tpu.memory_space<vmem_shared>> -> memref<10000x128xf32, #tpu.memory_space<vmem_shared>>
      tpu.wait_indirect_dma semaphore(%arg17 : memref<!tpu.dma_semaphore, #tpu.memory_space<semaphore_mem>>) src(%arg11 : memref<80x128xf32, #tpu.memory_space<vmem>>) dst(%dma_wait3A_471 : memref<10000x128xf32, #tpu.memory_space<vmem_shared>>)
      %add3A_472 = arith.constant 2 : i32
      %add3A_473 = arith.addi %add3A_374, %add3A_472 : i32
      %lt3A = arith.constant 125 : i32
      %lt3A_474 = arith.cmpi slt, %add3A_473, %lt3A : i32
      %convert_element_type3A_475 = arith.extui %lt3A_474 : i1 to i32
      %cond3A_476 = arith.constant 0 : i32
      %cond3A_477 = arith.cmpi ne, %convert_element_type3A_475, %cond3A_476 : i32
      scf.if %cond3A_477 {
        %add3A_484 = arith.constant 2 : i32
        %add3A_485 = arith.addi %add3A_374, %add3A_484 : i32
        %mul3A_486 = arith.constant 80 : i32
        %mul3A_487 = arith.muli %add3A_485, %mul3A_486 : i32
        %add3A_488 = arith.constant 0 : i32
        %add3A_489 = arith.addi %mul3A_487, %add3A_488 : i32
        %get3A_490 = arith.index_cast %add3A_489 : i32 to index
        %get3A_491 = tpu.vector_load %arg5[%get3A_490] {strides = array<i32>} : memref<10000xi32, #tpu.memory_space<vmem>>, vector<16xi32>,
        %shift_right_arithmetic3A_492 = arith.constant 14 : i32
        %shift_right_arithmetic3A_493 = vector.broadcast %shift_right_arithmetic3A_492 : i32 to vector<16xi32>
        %shift_right_arithmetic3A_494 = arith.shrsi %get3A_491, %shift_right_arithmetic3A_493 : vector<16xi32>
        %swap3A_495 = arith.constant 0 : index
        %swap3A_496 = tpu.vector_load %arg8[%swap3A_495] {strides = array<i32>} : memref<80xi32, #tpu.memory_space<vmem>>, vector<16xi32>,
        tpu.vector_store %arg8[%swap3A_495], %shift_right_arithmetic3A_494 {strides = array<i32>} : memref<80xi32, #tpu.memory_space<vmem>>, vector<16xi32>,
        %and3A_497 = arith.constant 16383 : i32
        %and3A_498 = vector.broadcast %and3A_497 : i32 to vector<16xi32>
        %and3A_499 = arith.andi %get3A_491, %and3A_498 : vector<16xi32>
        %swap3A_500 = arith.constant 0 : index
        %swap3A_501 = tpu.vector_load %arg9[%swap3A_500] {strides = array<i32>} : memref<80xi32, #tpu.memory_space<vmem>>, vector<16xi32>,
        tpu.vector_store %arg9[%swap3A_500], %and3A_499 {strides = array<i32>} : memref<80xi32, #tpu.memory_space<vmem>>, vector<16xi32>,
        %mul3A_502 = arith.constant 80 : i32
        %mul3A_503 = arith.muli %add3A_485, %mul3A_502 : i32
        %add3A_504 = arith.constant 16 : i32
        %add3A_505 = arith.addi %mul3A_503, %add3A_504 : i32
        %get3A_506 = arith.index_cast %add3A_505 : i32 to index
        %get3A_507 = tpu.vector_load %arg5[%get3A_506] {strides = array<i32>} : memref<10000xi32, #tpu.memory_space<vmem>>, vector<16xi32>,
        %shift_right_arithmetic3A_508 = arith.constant 14 : i32
        %shift_right_arithmetic3A_509 = vector.broadcast %shift_right_arithmetic3A_508 : i32 to vector<16xi32>
        %shift_right_arithmetic3A_510 = arith.shrsi %get3A_507, %shift_right_arithmetic3A_509 : vector<16xi32>
        %swap3A_511 = arith.constant 16 : index
        %swap3A_512 = tpu.vector_load %arg8[%swap3A_511] {strides = array<i32>} : memref<80xi32, #tpu.memory_space<vmem>>, vector<16xi32>,
        tpu.vector_store %arg8[%swap3A_511], %shift_right_arithmetic3A_510 {strides = array<i32>} : memref<80xi32, #tpu.memory_space<vmem>>, vector<16xi32>,
        %and3A_513 = arith.constant 16383 : i32
        %and3A_514 = vector.broadcast %and3A_513 : i32 to vector<16xi32>
        %and3A_515 = arith.andi %get3A_507, %and3A_514 : vector<16xi32>
        %swap3A_516 = arith.constant 16 : index
        %swap3A_517 = tpu.vector_load %arg9[%swap3A_516] {strides = array<i32>} : memref<80xi32, #tpu.memory_space<vmem>>, vector<16xi32>,
        tpu.vector_store %arg9[%swap3A_516], %and3A_515 {strides = array<i32>} : memref<80xi32, #tpu.memory_space<vmem>>, vector<16xi32>,
        %mul3A_518 = arith.constant 80 : i32
        %mul3A_519 = arith.muli %add3A_485, %mul3A_518 : i32
        %add3A_520 = arith.constant 32 : i32
        %add3A_521 = arith.addi %mul3A_519, %add3A_520 : i32
        %get3A_522 = arith.index_cast %add3A_521 : i32 to index
        %get3A_523 = tpu.vector_load %arg5[%get3A_522] {strides = array<i32>} : memref<10000xi32, #tpu.memory_space<vmem>>, vector<16xi32>,
        %shift_right_arithmetic3A_524 = arith.constant 14 : i32
        %shift_right_arithmetic3A_525 = vector.broadcast %shift_right_arithmetic3A_524 : i32 to vector<16xi32>
        %shift_right_arithmetic3A_526 = arith.shrsi %get3A_523, %shift_right_arithmetic3A_525 : vector<16xi32>
        %swap3A_527 = arith.constant 32 : index
        %swap3A_528 = tpu.vector_load %arg8[%swap3A_527] {strides = array<i32>} : memref<80xi32, #tpu.memory_space<vmem>>, vector<16xi32>,
        tpu.vector_store %arg8[%swap3A_527], %shift_right_arithmetic3A_526 {strides = array<i32>} : memref<80xi32, #tpu.memory_space<vmem>>, vector<16xi32>,
        %and3A_529 = arith.constant 16383 : i32
        %and3A_530 = vector.broadcast %and3A_529 : i32 to vector<16xi32>
        %and3A_531 = arith.andi %get3A_523, %and3A_530 : vector<16xi32>
        %swap3A_532 = arith.constant 32 : index
        %swap3A_533 = tpu.vector_load %arg9[%swap3A_532] {strides = array<i32>} : memref<80xi32, #tpu.memory_space<vmem>>, vector<16xi32>,
        tpu.vector_store %arg9[%swap3A_532], %and3A_531 {strides = array<i32>} : memref<80xi32, #tpu.memory_space<vmem>>, vector<16xi32>,
        %mul3A_534 = arith.constant 80 : i32
        %mul3A_535 = arith.muli %add3A_485, %mul3A_534 : i32
        %add3A_536 = arith.constant 48 : i32
        %add3A_537 = arith.addi %mul3A_535, %add3A_536 : i32
        %get3A_538 = arith.index_cast %add3A_537 : i32 to index
        %get3A_539 = tpu.vector_load %arg5[%get3A_538] {strides = array<i32>} : memref<10000xi32, #tpu.memory_space<vmem>>, vector<16xi32>,
        %shift_right_arithmetic3A_540 = arith.constant 14 : i32
        %shift_right_arithmetic3A_541 = vector.broadcast %shift_right_arithmetic3A_540 : i32 to vector<16xi32>
        %shift_right_arithmetic3A_542 = arith.shrsi %get3A_539, %shift_right_arithmetic3A_541 : vector<16xi32>
        %swap3A_543 = arith.constant 48 : index
        %swap3A_544 = tpu.vector_load %arg8[%swap3A_543] {strides = array<i32>} : memref<80xi32, #tpu.memory_space<vmem>>, vector<16xi32>,
        tpu.vector_store %arg8[%swap3A_543], %shift_right_arithmetic3A_542 {strides = array<i32>} : memref<80xi32, #tpu.memory_space<vmem>>, vector<16xi32>,
        %and3A_545 = arith.constant 16383 : i32
        %and3A_546 = vector.broadcast %and3A_545 : i32 to vector<16xi32>
        %and3A_547 = arith.andi %get3A_539, %and3A_546 : vector<16xi32>
        %swap3A_548 = arith.constant 48 : index
        %swap3A_549 = tpu.vector_load %arg9[%swap3A_548] {strides = array<i32>} : memref<80xi32, #tpu.memory_space<vmem>>, vector<16xi32>,
        tpu.vector_store %arg9[%swap3A_548], %and3A_547 {strides = array<i32>} : memref<80xi32, #tpu.memory_space<vmem>>, vector<16xi32>,
        %mul3A_550 = arith.constant 80 : i32
        %mul3A_551 = arith.muli %add3A_485, %mul3A_550 : i32
        %add3A_552 = arith.constant 64 : i32
        %add3A_553 = arith.addi %mul3A_551, %add3A_552 : i32
        %get3A_554 = arith.index_cast %add3A_553 : i32 to index
        %get3A_555 = tpu.vector_load %arg5[%get3A_554] {strides = array<i32>} : memref<10000xi32, #tpu.memory_space<vmem>>, vector<16xi32>,
        %shift_right_arithmetic3A_556 = arith.constant 14 : i32
        %shift_right_arithmetic3A_557 = vector.broadcast %shift_right_arithmetic3A_556 : i32 to vector<16xi32>
        %shift_right_arithmetic3A_558 = arith.shrsi %get3A_555, %shift_right_arithmetic3A_557 : vector<16xi32>
        %swap3A_559 = arith.constant 64 : index
        %swap3A_560 = tpu.vector_load %arg8[%swap3A_559] {strides = array<i32>} : memref<80xi32, #tpu.memory_space<vmem>>, vector<16xi32>,
        tpu.vector_store %arg8[%swap3A_559], %shift_right_arithmetic3A_558 {strides = array<i32>} : memref<80xi32, #tpu.memory_space<vmem>>, vector<16xi32>,
        %and3A_561 = arith.constant 16383 : i32
        %and3A_562 = vector.broadcast %and3A_561 : i32 to vector<16xi32>
        %and3A_563 = arith.andi %get3A_555, %and3A_562 : vector<16xi32>
        %swap3A_564 = arith.constant 64 : index
        %swap3A_565 = tpu.vector_load %arg9[%swap3A_564] {strides = array<i32>} : memref<80xi32, #tpu.memory_space<vmem>>, vector<16xi32>,
        tpu.vector_store %arg9[%swap3A_564], %and3A_563 {strides = array<i32>} : memref<80xi32, #tpu.memory_space<vmem>>, vector<16xi32>,
        %dma_start3A_566 = arith.constant 0 : i32
        %dma_start3A_567 = arith.constant 0 : i32
        %dma_start3A_568 = tpu.memref_slice %arg2[%dma_start3A_566, %dma_start3A_567] : memref<40000x128xf32, #tpu.memory_space<hbm>> -> memref<40000x128xf32, #tpu.memory_space<hbm>>
        tpu.enqueue_indirect_dma source(%dma_start3A_568 : memref<40000x128xf32, #tpu.memory_space<hbm>>) target(%arg11 : memref<80x128xf32, #tpu.memory_space<vmem>>) offsets(%arg8 : memref<80xi32, #tpu.memory_space<vmem>>) semaphore(%arg15 : memref<!tpu.dma_semaphore, #tpu.memory_space<semaphore_mem>>)
      } else {
      }
      %dma_wait3A_478 = arith.constant 0 : i32
      %dma_wait3A_479 = arith.constant 0 : i32
      %dma_wait3A_480 = tpu.memref_slice %arg2[%dma_wait3A_478, %dma_wait3A_479] : memref<40000x128xf32, #tpu.memory_space<hbm>> -> memref<40000x128xf32, #tpu.memory_space<hbm>>
      tpu.wait_indirect_dma semaphore(%arg14 : memref<!tpu.dma_semaphore, #tpu.memory_space<semaphore_mem>>) src(%dma_wait3A_480 : memref<40000x128xf32, #tpu.memory_space<hbm>>) dst(%arg10 : memref<80x128xf32, #tpu.memory_space<vmem>>)
      %dma_start3A_481 = arith.constant 0 : i32
      %dma_start3A_482 = arith.constant 0 : i32
      %dma_start3A_483 = tpu.memref_slice %arg13[%dma_start3A_481, %dma_start3A_482] : memref<10000x128xf32, #tpu.memory_space<vmem_shared>> -> memref<10000x128xf32, #tpu.memory_space<vmem_shared>>
      tpu.enqueue_indirect_dma source(%arg10 : memref<80x128xf32, #tpu.memory_space<vmem>>) target(%dma_start3A_483 : memref<10000x128xf32, #tpu.memory_space<vmem_shared>>) offsets(%arg7 : memref<80xi32, #tpu.memory_space<vmem>>) semaphore(%arg16 : memref<!tpu.dma_semaphore, #tpu.memory_space<semaphore_mem>>) {add = true}
    }
    %scan3A_357 = arith.constant 62 : i32
    %dma_wait3A_358 = arith.constant 0 : i32
    %dma_wait3A_359 = arith.constant 0 : i32
    %dma_wait3A_360 = tpu.memref_slice %arg13[%dma_wait3A_358, %dma_wait3A_359] : memref<10000x128xf32, #tpu.memory_space<vmem_shared>> -> memref<10000x128xf32, #tpu.memory_space<vmem_shared>>
    tpu.wait_indirect_dma semaphore(%arg16 : memref<!tpu.dma_semaphore, #tpu.memory_space<semaphore_mem>>) src(%arg10 : memref<80x128xf32, #tpu.memory_space<vmem>>) dst(%dma_wait3A_360 : memref<10000x128xf32, #tpu.memory_space<vmem_shared>>)
    %barrier3A_361 = arith.constant 0 : index
    tpu.barrier barrier_id(%barrier3A_361)
    %mul3A_362 = arith.constant 10000 : i32
    %mul3A_363 = arith.muli %arg0, %mul3A_362 : i32
    %add3A_364 = arith.addi %mul3A_363, %mul3A_11 : i32
    "tpu.region"() ({
      %run_scoped3A = tpu.sem_alloc : memref<!tpu.dma_semaphore, #tpu.memory_space<semaphore_mem>>
      %dma_start3A_370 = arith.constant 0 : i32
      %dma_start3A_371 = tpu.memref_slice %arg4[%add3A_364, %dma_start3A_370] : memref<20000x128xf32, #tpu.memory_space<hbm>> -> memref<624x128xf32, #tpu.memory_space<hbm>>
      %dma_start3A_372 = arith.constant 0 : i32
      %dma_start3A_373 = tpu.memref_slice %arg13[%mul3A_11, %dma_start3A_372] : memref<10000x128xf32, #tpu.memory_space<vmem_shared>> -> memref<624x128xf32, #tpu.memory_space<vmem_shared>>
      tpu.enqueue_dma source(%dma_start3A_373 : memref<624x128xf32, #tpu.memory_space<vmem_shared>>) target(%dma_start3A_371 : memref<624x128xf32, #tpu.memory_space<hbm>>) target_semaphore(%run_scoped3A : memref<!tpu.dma_semaphore, #tpu.memory_space<semaphore_mem>>)
      %dma_wait3A_374 = arith.constant 0 : i32
      %dma_wait3A_375 = tpu.memref_slice %arg4[%add3A_364, %dma_wait3A_374] : memref<20000x128xf32, #tpu.memory_space<hbm>> -> memref<624x128xf32, #tpu.memory_space<hbm>>
      %dma_wait3A_376 = arith.constant 0 : i32
      %dma_wait3A_377 = tpu.memref_slice %arg13[%mul3A_11, %dma_wait3A_376] : memref<10000x128xf32, #tpu.memory_space<vmem_shared>> -> memref<624x128xf32, #tpu.memory_space<vmem_shared>>
      tpu.wait_dma2 semaphore(%run_scoped3A : memref<!tpu.dma_semaphore, #tpu.memory_space<semaphore_mem>>) src(%dma_wait3A_377 : memref<624x128xf32, #tpu.memory_space<vmem_shared>>) dst(%dma_wait3A_375 : memref<624x128xf32, #tpu.memory_space<hbm>>)
      tpu.yield
    }) : () -> ()
    %eq3A_365 = arith.constant 15 : i32
    %eq3A_366 = arith.cmpi eq, %arg1, %eq3A_365 : i32
    %convert_element_type3A_367 = arith.extui %eq3A_366 : i1 to i32
    %cond3A_368 = arith.constant 0 : i32
    %cond3A_369 = arith.cmpi ne, %convert_element_type3A_367, %cond3A_368 : i32
    scf.if %cond3A_369 {
      %mul3A_370 = arith.constant 10000 : i32
      %mul3A_371 = arith.muli %arg0, %mul3A_370 : i32
      %add3A_372 = arith.constant 9984 : i32
      %add3A_373 = arith.addi %mul3A_371, %add3A_372 : i32
      "tpu.region"() ({
        %run_scoped3A = tpu.sem_alloc : memref<!tpu.dma_semaphore, #tpu.memory_space<semaphore_mem>>
        %dma_start3A_374 = arith.constant 0 : i32
        %dma_start3A_375 = tpu.memref_slice %arg4[%add3A_373, %dma_start3A_374] : memref<20000x128xf32, #tpu.memory_space<hbm>> -> memref<16x128xf32, #tpu.memory_space<hbm>>
        %dma_start3A_376 = arith.constant 9984 : i32
        %dma_start3A_377 = arith.constant 0 : i32
        %dma_start3A_378 = tpu.memref_slice %arg13[%dma_start3A_376, %dma_start3A_377] : memref<10000x128xf32, #tpu.memory_space<vmem_shared>> -> memref<16x128xf32, #tpu.memory_space<vmem_shared>>
        tpu.enqueue_dma source(%dma_start3A_378 : memref<16x128xf32, #tpu.memory_space<vmem_shared>>) target(%dma_start3A_375 : memref<16x128xf32, #tpu.memory_space<hbm>>) target_semaphore(%run_scoped3A : memref<!tpu.dma_semaphore, #tpu.memory_space<semaphore_mem>>)
        %dma_wait3A_379 = arith.constant 0 : i32
        %dma_wait3A_380 = tpu.memref_slice %arg4[%add3A_373, %dma_wait3A_379] : memref<20000x128xf32, #tpu.memory_space<hbm>> -> memref<16x128xf32, #tpu.memory_space<hbm>>
        %dma_wait3A_381 = arith.constant 9984 : i32
        %dma_wait3A_382 = arith.constant 0 : i32
        %dma_wait3A_383 = tpu.memref_slice %arg13[%dma_wait3A_381, %dma_wait3A_382] : memref<10000x128xf32, #tpu.memory_space<vmem_shared>> -> memref<16x128xf32, #tpu.memory_space<vmem_shared>>
        tpu.wait_dma2 semaphore(%run_scoped3A : memref<!tpu.dma_semaphore, #tpu.memory_space<semaphore_mem>>) src(%dma_wait3A_383 : memref<16x128xf32, #tpu.memory_space<vmem_shared>>) dst(%dma_wait3A_380 : memref<16x128xf32, #tpu.memory_space<hbm>>)
        tpu.yield
      }) : () -> ()
    } else {
    }
    return
  }
}

module attributes {stable_mosaic.version = 14 : i64} {
  func.func @body(%arg0: i32, %arg1: memref<1x250x1280xi32, #tpu.memory_space<vmem>>, %arg2: memref<1x250x1280xi32, #tpu.memory_space<vmem>>, %arg3: memref<250x1280xi32, #tpu.memory_space<vmem>>, %arg4: memref<250x1280xi32, #tpu.memory_space<vmem>>) attributes {dimension_semantics = [#tpu.dimension_semantics<arbitrary>], iteration_bounds = array<i64: 1>, scalar_prefetch = 0 : i64, scratch_operands = 0 : i64, tpu.core_type = #tpu.core_type<tc>, window_params = [{transform_indices = @transform_0, window_bounds = array<i64: 1, 250, 1280>}, {transform_indices = @transform_1, window_bounds = array<i64: 1, 250, 1280>}, {pipeline_mode = #tpu.pipeline_mode<synchronous>, transform_indices = @transform_2, window_bounds = array<i64: 250, 1280>}, {pipeline_mode = #tpu.pipeline_mode<synchronous>, transform_indices = @transform_3, window_bounds = array<i64: 250, 1280>}]} {
    %get3A = arith.constant 0 : index
    %get3A_0 = arith.constant 0 : index
    %get3A_1 = vector.load %arg3[%get3A, %get3A_0] : memref<250x1280xi32, #tpu.memory_space<vmem>>, vector<250x1280xi32>
    %mul3A = arith.constant 10000 : i32
    %mul3A_2 = vector.broadcast %mul3A : i32 to vector<250x1280xi32>
    %mul3A_3 = arith.muli %get3A_1, %mul3A_2 : vector<250x1280xi32>
    %get3A_4 = arith.constant 0 : index
    %get3A_5 = arith.constant 0 : index
    %get3A_6 = arith.constant 0 : index
    %get3A_7 = vector.load %arg1[%get3A_4, %get3A_5, %get3A_6] : memref<1x250x1280xi32, #tpu.memory_space<vmem>>, vector<1x250x1280xi32>
    %get3A_8 = vector.shape_cast %get3A_7 : vector<1x250x1280xi32> to vector<250x1280xi32>
    %add3A = arith.addi %mul3A_3, %get3A_8 : vector<250x1280xi32>
    %mul3A_9 = arith.constant 16384 : i32
    %mul3A_10 = vector.broadcast %mul3A_9 : i32 to vector<250x1280xi32>
    %mul3A_11 = arith.muli %add3A, %mul3A_10 : vector<250x1280xi32>
    %get3A_12 = arith.constant 0 : index
    %get3A_13 = arith.constant 0 : index
    %get3A_14 = arith.constant 0 : index
    %get3A_15 = vector.load %arg2[%get3A_12, %get3A_13, %get3A_14] : memref<1x250x1280xi32, #tpu.memory_space<vmem>>, vector<1x250x1280xi32>
    %get3A_16 = vector.shape_cast %get3A_15 : vector<1x250x1280xi32> to vector<250x1280xi32>
    %add3A_17 = arith.addi %mul3A_11, %get3A_16 : vector<250x1280xi32>
    %swap3A = arith.constant 0 : index
    %swap3A_18 = arith.constant 0 : index
    %swap3A_19 = vector.load %arg4[%swap3A, %swap3A_18] : memref<250x1280xi32, #tpu.memory_space<vmem>>, vector<250x1280xi32>
    tpu.vector_store %arg4[%swap3A, %swap3A_18], %add3A_17 {strides = array<i32>} : memref<250x1280xi32, #tpu.memory_space<vmem>>, vector<250x1280xi32>,
    return
  }
  func.func @transform_0(%arg0: i32) -> (i32, i32, i32) {
    %c0_i32 = arith.constant 0 : i32
    %c0_i32_0 = arith.constant 0 : i32
    %c0_i32_1 = arith.constant 0 : i32
    %c0_i32_2 = arith.constant 0 : i32
    return %c0_i32, %c0_i32_0, %c0_i32_1 : i32, i32, i32
  }
  func.func @transform_1(%arg0: i32) -> (i32, i32, i32) {
    %c1_i32 = arith.constant 1 : i32
    %c0_i32 = arith.constant 0 : i32
    %c0_i32_0 = arith.constant 0 : i32
    %c0_i32_1 = arith.constant 0 : i32
    return %c1_i32, %c0_i32, %c0_i32_0 : i32, i32, i32
  }
  func.func @transform_2(%arg0: i32) -> (i32, i32) {
    %c0_i32 = arith.constant 0 : i32
    %c0_i32_0 = arith.constant 0 : i32
    %c0_i32_1 = arith.constant 0 : i32
    return %c0_i32, %c0_i32_0 : i32, i32
  }
  func.func @transform_3(%arg0: i32) -> (i32, i32) {
    %c0_i32 = arith.constant 0 : i32
    %c0_i32_0 = arith.constant 0 : i32
    %c0_i32_1 = arith.constant 0 : i32
    return %c0_i32, %c0_i32_0 : i32, i32
  }
}

module attributes {stable_mosaic.version = 14 : i64} {
  func.func @body(%arg0: i32, %arg1: memref<5000x128xf32, #tpu.memory_space<vmem>>, %arg2: memref<4x128x128xf32, #tpu.memory_space<vmem>>, %arg3: memref<4x1x128xf32, #tpu.memory_space<vmem>>, %arg4: memref<4x5000x128xf32, #tpu.memory_space<vmem>>) attributes {dimension_semantics = [#tpu.dimension_semantics<arbitrary>], iteration_bounds = array<i64: 2>, scalar_prefetch = 0 : i64, scratch_operands = 0 : i64, tpu.core_type = #tpu.core_type<tc>, window_params = [{transform_indices = @transform_0, window_bounds = array<i64: 5000, 128>}, {pipeline_mode = #tpu.pipeline_mode<synchronous>, transform_indices = @transform_1, window_bounds = array<i64: 4, 128, 128>}, {pipeline_mode = #tpu.pipeline_mode<synchronous>, transform_indices = @transform_2, window_bounds = array<i64: 4, 1, 128>}, {transform_indices = @transform_3, window_bounds = array<i64: 4, 5000, 128>}]} {
    %get3A = arith.constant 0 : index
    %get3A_0 = arith.constant 0 : index
    %get3A_1 = vector.load %arg1[%get3A, %get3A_0] : memref<5000x128xf32, #tpu.memory_space<vmem>>, vector<5000x128xf32>
    %get3A_2 = arith.constant 0 : index
    %get3A_3 = arith.constant 0 : index
    %get3A_4 = arith.constant 0 : index
    %get3A_5 = vector.load %arg2[%get3A_2, %get3A_3, %get3A_4] : memref<4x128x128xf32, #tpu.memory_space<vmem>>, vector<1x128x128xf32>
    %get3A_6 = vector.shape_cast %get3A_5 : vector<1x128x128xf32> to vector<128x128xf32>
    %dot_general3A = arith.constant dense<0.000000e+00> : vector<5000x128xf32>
    %dot_general3A_7 = tpu.matmul %get3A_1, %get3A_6, %dot_general3A {dimension_numbers = #tpu.dot_dimension_numbers<[1], [1], [0], [0], [0, 0, 1, 0], [], []>, transpose_lhs_hint = false} : vector<5000x128xf32>, vector<128x128xf32>, vector<5000x128xf32> -> vector<5000x128xf32>
    %get3A_8 = arith.constant 0 : index
    %get3A_9 = arith.constant 0 : index
    %get3A_10 = arith.constant 0 : index
    %get3A_11 = vector.load %arg3[%get3A_8, %get3A_9, %get3A_10] : memref<4x1x128xf32, #tpu.memory_space<vmem>>, vector<1x1x128xf32>
    %get3A_12 = vector.shape_cast %get3A_11 : vector<1x1x128xf32> to vector<1x128xf32>
    %add3A = vector.broadcast %get3A_12 : vector<1x128xf32> to vector<5000x128xf32>
    %add3A_13 = arith.addf %dot_general3A_7, %add3A : vector<5000x128xf32>
    %swap3A = arith.constant 0 : index
    %swap3A_14 = arith.constant 0 : index
    %swap3A_15 = arith.constant 0 : index
    %swap3A_16 = vector.load %arg4[%swap3A, %swap3A_14, %swap3A_15] : memref<4x5000x128xf32, #tpu.memory_space<vmem>>, vector<1x5000x128xf32>
    %swap3A_17 = vector.shape_cast %swap3A_16 : vector<1x5000x128xf32> to vector<5000x128xf32>
    %swap3A_18 = vector.shape_cast %add3A_13 : vector<5000x128xf32> to vector<1x5000x128xf32>
    tpu.vector_store %arg4[%swap3A, %swap3A_14, %swap3A_15], %swap3A_18 {strides = array<i32>} : memref<4x5000x128xf32, #tpu.memory_space<vmem>>, vector<1x5000x128xf32>,
    %get3A_19 = arith.constant 0 : index
    %get3A_20 = arith.constant 0 : index
    %get3A_21 = vector.load %arg1[%get3A_19, %get3A_20] : memref<5000x128xf32, #tpu.memory_space<vmem>>, vector<5000x128xf32>
    %get3A_22 = arith.constant 1 : index
    %get3A_23 = arith.constant 0 : index
    %get3A_24 = arith.constant 0 : index
    %get3A_25 = vector.load %arg2[%get3A_22, %get3A_23, %get3A_24] : memref<4x128x128xf32, #tpu.memory_space<vmem>>, vector<1x128x128xf32>
    %get3A_26 = vector.shape_cast %get3A_25 : vector<1x128x128xf32> to vector<128x128xf32>
    %dot_general3A_27 = arith.constant dense<0.000000e+00> : vector<5000x128xf32>
    %dot_general3A_28 = tpu.matmul %get3A_21, %get3A_26, %dot_general3A_27 {dimension_numbers = #tpu.dot_dimension_numbers<[1], [1], [0], [0], [0, 0, 1, 0], [], []>, transpose_lhs_hint = false} : vector<5000x128xf32>, vector<128x128xf32>, vector<5000x128xf32> -> vector<5000x128xf32>
    %get3A_29 = arith.constant 1 : index
    %get3A_30 = arith.constant 0 : index
    %get3A_31 = arith.constant 0 : index
    %get3A_32 = vector.load %arg3[%get3A_29, %get3A_30, %get3A_31] : memref<4x1x128xf32, #tpu.memory_space<vmem>>, vector<1x1x128xf32>
    %get3A_33 = vector.shape_cast %get3A_32 : vector<1x1x128xf32> to vector<1x128xf32>
    %add3A_34 = vector.broadcast %get3A_33 : vector<1x128xf32> to vector<5000x128xf32>
    %add3A_35 = arith.addf %dot_general3A_28, %add3A_34 : vector<5000x128xf32>
    %swap3A_36 = arith.constant 1 : index
    %swap3A_37 = arith.constant 0 : index
    %swap3A_38 = arith.constant 0 : index
    %swap3A_39 = vector.load %arg4[%swap3A_36, %swap3A_37, %swap3A_38] : memref<4x5000x128xf32, #tpu.memory_space<vmem>>, vector<1x5000x128xf32>
    %swap3A_40 = vector.shape_cast %swap3A_39 : vector<1x5000x128xf32> to vector<5000x128xf32>
    %swap3A_41 = vector.shape_cast %add3A_35 : vector<5000x128xf32> to vector<1x5000x128xf32>
    tpu.vector_store %arg4[%swap3A_36, %swap3A_37, %swap3A_38], %swap3A_41 {strides = array<i32>} : memref<4x5000x128xf32, #tpu.memory_space<vmem>>, vector<1x5000x128xf32>,
    %get3A_42 = arith.constant 0 : index
    %get3A_43 = arith.constant 0 : index
    %get3A_44 = vector.load %arg1[%get3A_42, %get3A_43] : memref<5000x128xf32, #tpu.memory_space<vmem>>, vector<5000x128xf32>
    %get3A_45 = arith.constant 2 : index
    %get3A_46 = arith.constant 0 : index
    %get3A_47 = arith.constant 0 : index
    %get3A_48 = vector.load %arg2[%get3A_45, %get3A_46, %get3A_47] : memref<4x128x128xf32, #tpu.memory_space<vmem>>, vector<1x128x128xf32>
    %get3A_49 = vector.shape_cast %get3A_48 : vector<1x128x128xf32> to vector<128x128xf32>
    %dot_general3A_50 = arith.constant dense<0.000000e+00> : vector<5000x128xf32>
    %dot_general3A_51 = tpu.matmul %get3A_44, %get3A_49, %dot_general3A_50 {dimension_numbers = #tpu.dot_dimension_numbers<[1], [1], [0], [0], [0, 0, 1, 0], [], []>, transpose_lhs_hint = false} : vector<5000x128xf32>, vector<128x128xf32>, vector<5000x128xf32> -> vector<5000x128xf32>
    %get3A_52 = arith.constant 2 : index
    %get3A_53 = arith.constant 0 : index
    %get3A_54 = arith.constant 0 : index
    %get3A_55 = vector.load %arg3[%get3A_52, %get3A_53, %get3A_54] : memref<4x1x128xf32, #tpu.memory_space<vmem>>, vector<1x1x128xf32>
    %get3A_56 = vector.shape_cast %get3A_55 : vector<1x1x128xf32> to vector<1x128xf32>
    %add3A_57 = vector.broadcast %get3A_56 : vector<1x128xf32> to vector<5000x128xf32>
    %add3A_58 = arith.addf %dot_general3A_51, %add3A_57 : vector<5000x128xf32>
    %swap3A_59 = arith.constant 2 : index
    %swap3A_60 = arith.constant 0 : index
    %swap3A_61 = arith.constant 0 : index
    %swap3A_62 = vector.load %arg4[%swap3A_59, %swap3A_60, %swap3A_61] : memref<4x5000x128xf32, #tpu.memory_space<vmem>>, vector<1x5000x128xf32>
    %swap3A_63 = vector.shape_cast %swap3A_62 : vector<1x5000x128xf32> to vector<5000x128xf32>
    %swap3A_64 = vector.shape_cast %add3A_58 : vector<5000x128xf32> to vector<1x5000x128xf32>
    tpu.vector_store %arg4[%swap3A_59, %swap3A_60, %swap3A_61], %swap3A_64 {strides = array<i32>} : memref<4x5000x128xf32, #tpu.memory_space<vmem>>, vector<1x5000x128xf32>,
    %get3A_65 = arith.constant 0 : index
    %get3A_66 = arith.constant 0 : index
    %get3A_67 = vector.load %arg1[%get3A_65, %get3A_66] : memref<5000x128xf32, #tpu.memory_space<vmem>>, vector<5000x128xf32>
    %get3A_68 = arith.constant 3 : index
    %get3A_69 = arith.constant 0 : index
    %get3A_70 = arith.constant 0 : index
    %get3A_71 = vector.load %arg2[%get3A_68, %get3A_69, %get3A_70] : memref<4x128x128xf32, #tpu.memory_space<vmem>>, vector<1x128x128xf32>
    %get3A_72 = vector.shape_cast %get3A_71 : vector<1x128x128xf32> to vector<128x128xf32>
    %dot_general3A_73 = arith.constant dense<0.000000e+00> : vector<5000x128xf32>
    %dot_general3A_74 = tpu.matmul %get3A_67, %get3A_72, %dot_general3A_73 {dimension_numbers = #tpu.dot_dimension_numbers<[1], [1], [0], [0], [0, 0, 1, 0], [], []>, transpose_lhs_hint = false} : vector<5000x128xf32>, vector<128x128xf32>, vector<5000x128xf32> -> vector<5000x128xf32>
    %get3A_75 = arith.constant 3 : index
    %get3A_76 = arith.constant 0 : index
    %get3A_77 = arith.constant 0 : index
    %get3A_78 = vector.load %arg3[%get3A_75, %get3A_76, %get3A_77] : memref<4x1x128xf32, #tpu.memory_space<vmem>>, vector<1x1x128xf32>
    %get3A_79 = vector.shape_cast %get3A_78 : vector<1x1x128xf32> to vector<1x128xf32>
    %add3A_80 = vector.broadcast %get3A_79 : vector<1x128xf32> to vector<5000x128xf32>
    %add3A_81 = arith.addf %dot_general3A_74, %add3A_80 : vector<5000x128xf32>
    %swap3A_82 = arith.constant 3 : index
    %swap3A_83 = arith.constant 0 : index
    %swap3A_84 = arith.constant 0 : index
    %swap3A_85 = vector.load %arg4[%swap3A_82, %swap3A_83, %swap3A_84] : memref<4x5000x128xf32, #tpu.memory_space<vmem>>, vector<1x5000x128xf32>
    %swap3A_86 = vector.shape_cast %swap3A_85 : vector<1x5000x128xf32> to vector<5000x128xf32>
    %swap3A_87 = vector.shape_cast %add3A_81 : vector<5000x128xf32> to vector<1x5000x128xf32>
    tpu.vector_store %arg4[%swap3A_82, %swap3A_83, %swap3A_84], %swap3A_87 {strides = array<i32>} : memref<4x5000x128xf32, #tpu.memory_space<vmem>>, vector<1x5000x128xf32>,
    return
  }
  func.func @transform_0(%arg0: i32) -> (i32, i32) {
    %c0_i32 = arith.constant 0 : i32
    %c0_i32_0 = arith.constant 0 : i32
    return %arg0, %c0_i32 : i32, i32
  }
  func.func @transform_1(%arg0: i32) -> (i32, i32, i32) {
    %c0_i32 = arith.constant 0 : i32
    %c0_i32_0 = arith.constant 0 : i32
    %c0_i32_1 = arith.constant 0 : i32
    %c0_i32_2 = arith.constant 0 : i32
    return %c0_i32, %c0_i32_0, %c0_i32_1 : i32, i32, i32
  }
  func.func @transform_2(%arg0: i32) -> (i32, i32, i32) {
    %c0_i32 = arith.constant 0 : i32
    %c0_i32_0 = arith.constant 0 : i32
    %c0_i32_1 = arith.constant 0 : i32
    %c0_i32_2 = arith.constant 0 : i32
    return %c0_i32, %c0_i32_0, %c0_i32_1 : i32, i32, i32
  }
  func.func @transform_3(%arg0: i32) -> (i32, i32, i32) {
    %c0_i32 = arith.constant 0 : i32
    %c0_i32_0 = arith.constant 0 : i32
    %c0_i32_1 = arith.constant 0 : i32
    return %c0_i32, %arg0, %c0_i32_0 : i32, i32, i32
  }
}

module attributes {stable_mosaic.version = 14 : i64} {
  func.func @_add_body(%arg0: i32, %arg1: memref<5000x128xf32, #tpu.memory_space<vmem>>, %arg2: memref<5000x128xf32, #tpu.memory_space<vmem>>, %arg3: memref<5000x128xf32, #tpu.memory_space<vmem>>) attributes {dimension_semantics = [#tpu.dimension_semantics<arbitrary>], iteration_bounds = array<i64: 2>, scalar_prefetch = 0 : i64, scratch_operands = 0 : i64, tpu.core_type = #tpu.core_type<tc>, window_params = [{transform_indices = @transform_0, window_bounds = array<i64: 5000, 128>}, {transform_indices = @transform_1, window_bounds = array<i64: 5000, 128>}, {transform_indices = @transform_2, window_bounds = array<i64: 5000, 128>}]} {
    %get3A = arith.constant 0 : index
    %get3A_0 = arith.constant 0 : index
    %get3A_1 = vector.load %arg1[%get3A, %get3A_0] : memref<5000x128xf32, #tpu.memory_space<vmem>>, vector<5000x128xf32>
    %get3A_2 = arith.constant 0 : index
    %get3A_3 = arith.constant 0 : index
    %get3A_4 = vector.load %arg2[%get3A_2, %get3A_3] : memref<5000x128xf32, #tpu.memory_space<vmem>>, vector<5000x128xf32>
    %add3A = arith.addf %get3A_1, %get3A_4 : vector<5000x128xf32>
    %swap3A = arith.constant 0 : index
    %swap3A_5 = arith.constant 0 : index
    %swap3A_6 = vector.load %arg3[%swap3A, %swap3A_5] : memref<5000x128xf32, #tpu.memory_space<vmem>>, vector<5000x128xf32>
    tpu.vector_store %arg3[%swap3A, %swap3A_5], %add3A {strides = array<i32>} : memref<5000x128xf32, #tpu.memory_space<vmem>>, vector<5000x128xf32>,
    return
  }
  func.func @transform_0(%arg0: i32) -> (i32, i32) {
    %c0_i32 = arith.constant 0 : i32
    %c0_i32_0 = arith.constant 0 : i32
    return %arg0, %c0_i32 : i32, i32
  }
  func.func @transform_1(%arg0: i32) -> (i32, i32) {
    %add3A = arith.constant 2 : i32
    %add3A_0 = arith.addi %arg0, %add3A : i32
    %c0_i32 = arith.constant 0 : i32
    %c0_i32_1 = arith.constant 0 : i32
    return %add3A_0, %c0_i32 : i32, i32
  }
  func.func @transform_2(%arg0: i32) -> (i32, i32) {
    %c0_i32 = arith.constant 0 : i32
    %c0_i32_0 = arith.constant 0 : i32
    return %arg0, %c0_i32 : i32, i32
  }
}

</mosaic_0001>

<sc_bundles>
// kernel: kernel.6.cloned.1.call-start
scs
__scs_entry_jumppad:
0x0: {  	(pc) =	sbr.rel $0x88, $3  }
0x1: {  	(tag) =	ssettag $0x0;
	lr =	simm.s32 $0x1  }
0x2: {  	[smem:$0x3F9C] =	sst lr;
	_ =	strace $0xD0000000  }
0x3: {  	_ = 	snop  }
0x4: {  	_ = 	snop  }
0x5: {  	_ = 	snop  }
0x6: {  	_ = 	snop  }
0x7: {  	_ = 	snop  }
__scs_overlays_trampoline_lowered:
0x8: {  	[smem:$0x3FAB] =	sst s0  }
0x9: {  	[smem:$0x3FAC] =	sst s1  }
0xa: {  	[smem:$0x3FAD] =	sst s2  }
0xb: {  	[smem:$0x3FAE] =	sst s3  }
0xc: {  	[smem:$0x3FAF] =	sst s4  }
0xd: {  	[smem:$0x3FB0] =	sst s5  }
0xe: {  	[smem:$0x3FB1] =	sst s6  }
0xf: {  	[smem:$0x3FB2] =	sst s7  }
0x10: {  	[smem:$0x3FB3] =	sst s8  }
0x11: {  	[smem:$0x3FB4] =	sst s9;
	s0 =	simm.s32 @!p0 $0x0  }
0x12: {  	s1 =	sld [smem:$0x3F9A];
	s0 =	simm.s32 @p0 $0x1  }
0x13: {  	[smem:$0x3FB5] =	sst s0;
	s0 =	simm.s32 @!p1 $0x0  }
0x14: {  	s2 =	sld [smem:$0x3F99];
	s0 =	simm.s32 @p1 $0x1  }
0x15: {  	[smem:$0x3FB6] =	sst s0;
	s0 =	simm.s32 @!p2 $0x0  }
0x16: {  	s3 =	sld [smem:$0x3FDB];
	s0 =	simm.s32 @p2 $0x1  }
0x17: {  	s4 =	simm.s32 $0x1BF5;
	[smem:$0x3FB8] =	sst s0  }
0x18: {  	s0 =	sld [smem:$0x3F9B];
	_ =	swait.ge [sflag:s4], $0x0  }
0x19: {  	s7 =	sld [smem:$0x3F9C]  }
0x1a: {  	s8 =	sadd.s32 $0xFFFFE003, lr  }
0x1b: {  	s9 =	sadd.s32 $0xFFFFFEF7, lr;
	s5 =	simm.s32 $0xFFFFFFFF;
	p2 =	slt.u32 s8, $0xFFFFF086  }
0x1c: {  	p1 =	slt.u32 s9, $0xF7A;
	s5 =	simm.s32 @!p2 $0x0  }
0x1d: {  	s5 =	simm.s32 @p1 $0x1;
	p0 =	seq.s32 s7, s2  }
0x1e: {  	s7 =	smul.u32 @!p0 $0xF7A, s2;
	p2 =	seq.s32 @!p0 s5, $0x0  }
0x1f: {  	s9 =	smul.u32 $0xF7A, s1;
	s8 =	simm.s32 @!p0 $0x1BF5;
	p2 =	por !p2, p0  }
0x20: {  	[sflag:s8] =	ssyncset.s32 @!p0 $0xFFFFF086;
	s6 =	sadd.s32 @!p0 s3, s7;
	s7 =	simm.s32 @!p0 $0x108  }
0x21: {  	s3 =	sadd.s32 s3, s9;
	s6 =	sadd.s32 @!p0 $0x88, s6;
	s7 =	simm.s32 @p2 $0x1082  }
0x22: {  	[simem:s7], [sflag:s8] =	dma.local @!p0 [hbm:s6], $0xF7A  }
0x23: {  	s9 =	sor.u32 $0xD0000000, s2;
	s6 =	simm.s32 $0x108;
	_ =	swait.ge @!p0 [sflag:s8], $0x0  }
0x24: {  	s3 =	sadd.s32 $0x88, s3;
	s6 =	simm.s32 @!p1 $0x1082;
	[sflag:s4] =	ssyncset.s32 $0xFFFFF086  }
0x25: {  	[simem:s6], [sflag:s4] =	dma.local [hbm:s3], $0xF7A  }
0x26: {  	[smem:$0x3F9C] =	sst s1;
	(tag) =	ssettag s2;
	_ =	strace s9  }
0x27: {  	s1 =	sld [smem:$0x3FAC]  }
0x28: {  	s2 =	sld [smem:$0x3FAD]  }
0x29: {  	s4 =	sld [smem:$0x3FAF]  }
0x2a: {  	p0 =	seq.s32 s5, $0x0;
	s5 =	sld [smem:$0x3FB0]  }
0x2b: {  	s6 =	sld [smem:$0x3FB1]  }
0x2c: {  	s7 =	sld [smem:$0x3FB2]  }
0x2d: {  	s3 =	simm.s32 $0x108;
	s8 =	sld [smem:$0x3FB3]  }
0x2e: {  	s3 =	simm.s32 @!p0 $0x1082;
	s9 =	sld [smem:$0x3FB4]  }
0x2f: {  	lr =	sadd.s32 s0, s3;
	s0 =	sld [smem:$0x3FAB]  }
0x30: {  	s3 =	sld [smem:$0x3FAE]  }
0x31: {  	[smem:$0x3FB7] =	sst s10  }
0x32: {  	s10 =	sld [smem:$0x3FB5];
	_ =	sdelay $0x3  }
0x33: {  	p0 =	seq.s32 s10, $0x1;
	s10 =	sld [smem:$0x3FB7];
	_ =	sdelay $0x3  }
0x34: {  	[smem:$0x3FB7] =	sst s10  }
0x35: {  	s10 =	sld [smem:$0x3FB6];
	_ =	sdelay $0x3  }
0x36: {  	p1 =	seq.s32 s10, $0x1;
	s10 =	sld [smem:$0x3FB7];
	_ =	sdelay $0x3  }
0x37: {  	[smem:$0x3FB7] =	sst s10  }
0x38: {  	s10 =	sld [smem:$0x3FB8]  }
0x39: {  	_ = 	snop;
	(pc) =	sbr.ind lr, $3  }
0x3a: {  	_ = 	snop  }
0x3b: {  	_ = 	snop  }
0x3c: {  	p2 =	seq.s32 s10, $0x1;
	s10 =	sld [smem:$0x3FB7]  }
0x3d: {  	_ =	shalt  }
0x3e: {  	_ =	shalt  }
0x3f: {  	_ =	shalt  }
0x40: {  	_ =	shalt  }
0x41: {  	_ =	shalt  }
0x42: {  	_ =	shalt  }
0x43: {  	_ =	shalt  }
0x44: {  	_ =	shalt  }
0x45: {  	_ =	shalt  }
0x46: {  	_ =	shalt  }
0x47: {  	_ =	shalt  }
0x48: {  	_ =	shalt  }
0x49: {  	_ =	shalt  }
0x4a: {  	_ =	shalt  }
0x4b: {  	_ =	shalt  }
0x4c: {  	_ =	shalt  }
0x4d: {  	_ =	shalt  }
0x4e: {  	_ =	shalt  }
0x4f: {  	_ =	shalt  }
0x50: {  	_ =	shalt  }
0x51: {  	_ =	shalt  }
0x52: {  	_ =	shalt  }
0x53: {  	_ =	shalt  }
0x54: {  	_ =	shalt  }
0x55: {  	_ =	shalt  }
0x56: {  	_ =	shalt  }
0x57: {  	_ =	shalt  }
0x58: {  	_ =	shalt  }
0x59: {  	_ =	shalt  }
0x5a: {  	_ =	shalt  }
0x5b: {  	_ =	shalt  }
0x5c: {  	_ =	shalt  }
0x5d: {  	_ =	shalt  }
0x5e: {  	_ =	shalt  }
0x5f: {  	_ =	shalt  }
0x60: {  	_ =	shalt  }
0x61: {  	_ =	shalt  }
0x62: {  	_ =	shalt  }
0x63: {  	_ =	shalt  }
0x64: {  	_ =	shalt  }
0x65: {  	_ =	shalt  }
0x66: {  	_ =	shalt  }
0x67: {  	_ =	shalt  }
0x68: {  	_ =	shalt  }
0x69: {  	_ =	shalt  }
0x6a: {  	_ =	shalt  }
0x6b: {  	_ =	shalt  }
0x6c: {  	_ =	shalt  }
0x6d: {  	_ =	shalt  }
0x6e: {  	_ =	shalt  }
0x6f: {  	_ =	shalt  }
0x70: {  	_ =	shalt  }
0x71: {  	_ =	shalt  }
0x72: {  	_ =	shalt  }
0x73: {  	_ =	shalt  }
0x74: {  	_ =	shalt  }
0x75: {  	_ =	shalt  }
0x76: {  	_ =	shalt  }
0x77: {  	_ =	shalt  }
0x78: {  	_ =	shalt  }
0x79: {  	_ =	shalt  }
0x7a: {  	_ =	shalt  }
0x7b: {  	_ =	shalt  }
0x7c: {  	_ =	shalt  }
0x7d: {  	_ =	shalt  }
0x7e: {  	_ =	shalt  }
0x7f: {  	_ =	shalt  }
0x80: {  	_ =	shalt  }
0x81: {  	_ =	shalt  }
0x82: {  	_ =	shalt  }
0x83: {  	_ =	shalt  }
0x84: {  	_ =	shalt  }
0x85: {  	_ =	shalt  }
0x86: {  	_ =	shalt  }
0x87: {  	_ =	shalt  }
.Lfunc_end0:
.L_simem_size_0:
called_computation_lowered:
.L_overlay_start_0:
0x88: {  	s2 =	sld [smem:$0x3FD9]  }
0x89: {  	s3 =	sld [smem:$0x3FFE];
	_ =	sdelay $0x1  }
0x8a: {  	s1 =	srdreg.scid  }
0x8b: {  	s0 =	sand.u32 $0x1, s1  }
0x8c: {  	s17 =	sshll.u32 s0, $0xA;
	s2 =	sadd.s32 s3, s2  }
0x8d: {  	s2 =	sadd.s32 s2, s17  }
0x8e: {  	[smem:$0x3FC3] =	sst s2  }
0x8f: {  	_ = 	snop  }
0x90: {  	s2 =	sld [smem:$0x3FD0];
	(tm) =	ssettm $0x1  }
0x91: {  	s18 =	sld [smem:$0x3FFB];
	_ =	sdelay $0x3  }
0x92: {  	_ =	strace s18  }
0x93: {  	s3 =	sld [smem:$0x3FFC];
	_ =	sdelay $0x3  }
0x94: {  	_ =	strace s3  }
0x95: {  	s3 =	sld [smem:$0x3FFD];
	_ =	sdelay $0x3  }
0x96: {  	_ =	strace s3  }
0x97: {  	_ =	strace $0x8FFFFFFF  }
0x98: {  	s19 =	sld [smem:$0x3FDB];
	_ =	sdelay $0x1  }
0x99: {  	s4 =	simm.s32 $_scs_section_size  }
0x9a: {  	s5 =	simm.s32 $_size__tile_overlayer_lowered;
	s6 =	simm.s32 $_tile_overlayer_lowered  }
0x9b: {  	s22 =	simm.s32 $0x1BFF;
	s21 =	sshll.u32 s6, $0x1;
	s3 =	sadd.s32 s4, s19  }
0x9c: {  	s7 =	simm.s32 $0x0;
	s20 =	sshll.u32 s5, $0x1;
	s5 =	sadd.s32 s21, s3  }
0x9d: {  	[timem:s7], [sflag:s22] =	dma.local [hbm:s5], s20  }
0x9e: {  	_ =	swait.ge [sflag:s22], s20  }
0x9f: {  	s4 =	ssub.s32 $0x0, s20;
	[sflag:s22] =	ssyncset.done $0x0  }
0xa0: {  	[sflag:s22] =	ssyncadd.s32 s4;
	_ =	sdelay $0x1  }
0xa1: {  	s23 =	simm.s32 $0x1B8B  }
0xa2: {  	_ =	swait.ge [sflag:s23], $0x1  }
0xa3: {  	[sflag:s23] =	ssyncset.done $0x0  }
0xa4: {  	s25 =	simm.s32 $0x1B8E;
	s24 =	sld [smem:$0x3FFE];
	[sflag:s23] =	ssyncadd.s32 $0xFFFFFFFF  }
0xa5: {  	s26 =	simm.s32 $execute0_lowered;
	[smem:$0x3FD2] =	sst s25  }
0xa6: {  	s5 =	sshll.u32 s26, $0x1;
	_ =	strace $0x80000046;
	[dreg:$0x1] =	wrdreg $0xFFFFFFFF  }
0xa7: {  	s28 =	simm.s32 $_size_execute0_lowered;
	s3 =	sadd.s32 s3, s5;
	[dreg:$0x0] =	wrdreg $0x0  }
0xa8: {  	s5 =	sshll.u32 s28, $0x1;
	[dreg:$0x2] =	wrdreg s3  }
0xa9: {  	[dreg:$0x3] =	wrdreg s5  }
0xaa: {  	[dreg:$0x4] =	wrdreg $0xC0  }
0xab: {  	_ =	task [dreg:s7], $0x5FFFF  }
0xac: {  	[dreg:$0x1] =	wrdreg $0xFFFFFFFF  }
0xad: {  	[dreg:$0x0] =	wrdreg $0x60  }
0xae: {  	[dreg:$0x2] =	wrdreg s24  }
0xaf: {  	[dreg:$0x3] =	wrdreg s2  }
0xb0: {  	[dreg:$0x4] =	wrdreg $0x8D800  }
0xb1: {  	[dreg:$0x5] =	wrdreg $0x9  }
0xb2: {  	_ =	task.clear_ibuf [dreg:s7], $0x6FFFF;
	_ =	strace $0x90000046  }
0xb3: {  	s29 =	simm.s32 $0x9;
	_ =	strace $0x80000048  }
0xb4: {  	_ =	swait.ge [sflag:s29], $0x1  }
0xb5: {  	[sflag:s29] =	ssyncadd.s32 $0xFFFFFFFF  }
0xb6: {  	_ =	strace $0x90000048  }
0xb7: {  	_ =	sfence  }
0xb8: {  	s30 =	sld [smem:$0x0];
	_ =	sdelay $0x2  }
0xb9: {  	s31 =	sshll.u32 s1, $0xD;
	s1 =	sshrl.u32 s1, $0x2  }
0xba: {  	s3 =	sand.u32 $0x4000, s31;
	s1 =	sadd.s32 s1, s30  }
0xbb: {  	s0 =	sor.u32 s3, s0;
	s1 =	sshll.u32 s1, $0x11  }
0xbc: {  	s0 =	sor.u32 s1, s0  }
0xbd: {  	s0 =	sadd.s32 $0x8F2B, s0  }
0xbe: {  	[sflag:s0] =	ssyncadd.remote.s32 $0x1  }
0xbf: {  	_ =	sfence.sel $0xFFFF  }
0xc0: {  	[dreg:$0x0] =	wrdreg $0xFFFFFFFF;
	(pc) =	sbr.abs _section_cstart, $3  }
0xc1: {  	[dreg:$0x1] =	wrdreg $0xFFFFFFFF  }
0xc2: {  	_ =	task.clear_ibuf [dreg:s7], $0x2FFFF;
	_ =	strace $0x9FFFFFFF  }
0xc3: {  	(tm) =	ssettm $0x7FFFFFFF  }
tec
execute0_lowered:
.L_overlay_start_1:
0x0: {  	(tag) =	ssettag $0x1  }
0x1: {  	s0 =	rddreg [dreg:$0x0]  }
0x2: {  	s2 =	rddreg [dreg:$0x1]  }
0x3: {  	s1 =	rddreg [dreg:$0x2];
	s3 =	srdreg.scid  }
0x4: {  	s4 =	simm.s32 $0x0;
	s9 =	stileid.u32;
	s28 =	simm.s32 $0x5  }
0x5: {  	s29 =	simm.s32 $0x50;
	s30 =	simm.s32 $0x2780;
	s31 =	simm.s32 $0x2980  }
0x6: {  	s10 =	simm.s32 $0x2900;
	s11 =	simm.s32 $0x4;
	s12 =	simm.s32 $0x7  }
0x7: {  	s13 =	simm.s32 $0x0;
	s3 =	sand.u32 $0x1, s3;
	s6 =	smul.u32 $0x4E000, s9  }
0x8: {  	[smem:$0x7FF] =	sst s4;
	s4 =	sadd.s32 $0x1400, s0;
	s0 =	sadd.s32 $0x9D800, s0  }
0x9: {  	s15 =	smul.u32 $0x2700, s9;
	p0 =	sne.s32 s9, $0xF;
	s6 =	sshrl.u32 s6, $0x2  }
0xa: {  	s14 =	sshll.u32 s3, $0x4;
	_ =	strace $0x80000047;
	s6 =	sadd.s32 s6, s1  }
0xb: {  	s7 =	ssub.s32 $0x2, s3;
	s25 =	smul.u32 $0x138800, s3;
	s16 =	sadd.s32 $0x1400, s6  }
0xc: {  	s3 =	smul.u32 $0x27100, s3;
	s17 =	sadd.s32 $0x2800, s6;
	[dreg:$0x5] =	wrdreg s16  }
0xd: {  	s5 =	sor.u32 s9, s14;
	s18 =	sadd.s32 $0x3C00, s6;
	[dreg:$0x6] =	wrdreg s17  }
0xe: {  	s8 =	sshrl.u32 s7, $0x1;
	s19 =	sadd.s32 $0x5000, s6;
	[dreg:$0x7] =	wrdreg s18  }
0xf: {  	s9 =	simm.s32 $0x2;
	s20 =	sadd.s32 $0x6400, s6;
	[dreg:$0x8] =	wrdreg s19  }
0x10: {  	s5 =	smul.u32 $0x4E2, s5;
	s21 =	sadd.s32 $0x7800, s6;
	[dreg:$0x9] =	wrdreg s20  }
0x11: {  	s7 =	ssub.s32 s7, s8;
	s22 =	sadd.s32 $0x8C00, s6;
	[dreg:$0xa] =	wrdreg s21  }
0x12: {  	s8 =	simm.s32 $0x3;
	s23 =	sadd.s32 $0xA000, s6;
	[dreg:$0xb] =	wrdreg s22  }
0x13: {  	s24 =	sadd.s32 $0xB400, s6;
	s2 =	sadd.s32 s2, s5;
	[dreg:$0xc] =	wrdreg s23  }
0x14: {  	[dreg:$0xd] =	wrdreg s24;
	s16 =	sadd.s32 $0xC800, s6;
	s17 =	sadd.s32 $0xDC00, s6  }
0x15: {  	s18 =	sadd.s32 $0xF000, s6;
	s19 =	sadd.s32 $0x10400, s6;
	s20 =	sadd.s32 $0x11800, s6  }
0x16: {  	s5 =	sshrl.u32 s25, $0x3;
	s21 =	sadd.s32 $0x12C00, s6;
	s23 =	sadd.s32 $0x138000, s1  }
0x17: {  	s25 =	smax.u32 s7, $0x1;
	s7 =	simm.s32 $0x2800;
	[dreg:$0x4] =	wrdreg s2  }
0x18: {  	s2 =	sadd.s32 s15, s3;
	s26 =	sadd.s32 s0, s5;
	s3 =	simm.s32 $0x5180  }
0x19: {  	s5 =	simm.s32 $0x1;
	s22 =	sadd.s32 s0, s2;
	s24 =	sadd.s32 $0x27000, s26  }
0x1a: {  	v0 =	vimm.f32 $0.0e+00;
	s26 =	simm.s32 $0x7980;
	s0 =	simm.s32 $0x2880;
	s2 =	simm.s32 $0x6  }
.LBB2_1:
0x1b: {  	s14 =	simm.s32 $0x0;
	s15 =	rddreg [dreg:$0x4]  }
0x1c: {  	[tilespmem:s14], [sflag:$0x5] =	stream.linear.gather [hbm4b:s15+s14], $0x2710, $0x38;
	[tilespmem:$0x1C600] =	vst v63  }
0x1d: {  	s14 =	simm.s32 $0x0;
	s15 =	simm.s32 $0x200  }
.LBB2_2:
0x1e: {  	p1 =	sne.s32 s15, $0x4E00;
	[tilespmem:s14+$0x79F0] =	vst v0  }
0x1f: {  	[tilespmem:s14+$0x7980] =	vst v0  }
0x20: {  	[tilespmem:s14+$0x7990] =	vst v0  }
.Ltmp0:
0x21: {  	[tilespmem:s14+$0x79A0] =	vst v0;
	(pc) =	sbr.rel @p1 .LBB2_2-.Ltmp0, $4  }
0x22: {  	[tilespmem:s14+$0x79B0] =	vst v0  }
0x23: {  	[tilespmem:s14+$0x79C0] =	vst v0  }
0x24: {  	[tilespmem:s14+$0x79D0] =	vst v0  }
0x25: {  	[tilespmem:s14+$0x79E0] =	vst v0;
	s14 =	sshra.s32 s15, $0x2;
	s15 =	sadd.s32 $0x200, s15  }
0x26: {  	[tilespmem:s14+$0x79F0] =	vst v0  }
0x27: {  	[tilespmem:s14+$0x7980] =	vst v0  }
0x28: {  	[tilespmem:s14+$0x7990] =	vst v0  }
0x29: {  	[tilespmem:s14+$0x79A0] =	vst v0  }
0x2a: {  	[tilespmem:s14+$0x79B0] =	vst v0  }
0x2b: {  	[tilespmem:s14+$0x79C0] =	vst v0  }
0x2c: {  	[tilespmem:s14+$0x79D0] =	vst v0  }
0x2d: {  	[tilespmem:s14+$0x79E0] =	vst v0  }
0x2e: {  	[spmem:s6] =	stream.linear.scatter [tilespmem:s26], [sflag:$0x6], $0x1400, $0x38;
	[tilespmem:$0x1C600] =	vst v63  }
0x2f: {  	s15 =	rddreg [dreg:$0x5]  }
0x30: {  	[spmem:s15] =	stream.linear.scatter [tilespmem:s26], [sflag:$0x6], $0x1400, $0x38;
	[tilespmem:$0x1C600] =	vst v63  }
0x31: {  	s15 =	rddreg [dreg:$0x6]  }
0x32: {  	[spmem:s15] =	stream.linear.scatter [tilespmem:s26], [sflag:$0x6], $0x1400, $0x38;
	[tilespmem:$0x1C600] =	vst v63  }
0x33: {  	s15 =	rddreg [dreg:$0x7]  }
0x34: {  	[spmem:s15] =	stream.linear.scatter [tilespmem:s26], [sflag:$0x6], $0x1400, $0x38;
	[tilespmem:$0x1C600] =	vst v63  }
0x35: {  	s15 =	rddreg [dreg:$0x8]  }
0x36: {  	[spmem:s15] =	stream.linear.scatter [tilespmem:s26], [sflag:$0x6], $0x1400, $0x38;
	[tilespmem:$0x1C600] =	vst v63  }
0x37: {  	s15 =	rddreg [dreg:$0x9]  }
0x38: {  	[spmem:s15] =	stream.linear.scatter [tilespmem:s26], [sflag:$0x6], $0x1400, $0x38;
	[tilespmem:$0x1C600] =	vst v63  }
0x39: {  	s15 =	rddreg [dreg:$0xa]  }
0x3a: {  	[spmem:s15] =	stream.linear.scatter [tilespmem:s26], [sflag:$0x6], $0x1400, $0x38;
	[tilespmem:$0x1C600] =	vst v63  }
0x3b: {  	s15 =	rddreg [dreg:$0xb]  }
0x3c: {  	[spmem:s15] =	stream.linear.scatter [tilespmem:s26], [sflag:$0x6], $0x1400, $0x38;
	[tilespmem:$0x1C600] =	vst v63  }
0x3d: {  	s15 =	rddreg [dreg:$0xc]  }
0x3e: {  	[spmem:s15] =	stream.linear.scatter [tilespmem:s26], [sflag:$0x6], $0x1400, $0x38;
	[tilespmem:$0x1C600] =	vst v63  }
0x3f: {  	s15 =	rddreg [dreg:$0xd]  }
0x40: {  	[spmem:s15] =	stream.linear.scatter [tilespmem:s26], [sflag:$0x6], $0x1400, $0x38;
	[tilespmem:$0x1C600] =	vst v63  }
0x41: {  	_ = 	snop  }
0x42: {  	[spmem:s16] =	stream.linear.scatter [tilespmem:s26], [sflag:$0x6], $0x1400, $0x38;
	[tilespmem:$0x1C600] =	vst v63  }
0x43: {  	_ = 	snop  }
0x44: {  	[spmem:s17] =	stream.linear.scatter [tilespmem:s26], [sflag:$0x6], $0x1400, $0x38;
	[tilespmem:$0x1C600] =	vst v63  }
0x45: {  	_ = 	snop  }
0x46: {  	[spmem:s18] =	stream.linear.scatter [tilespmem:s26], [sflag:$0x6], $0x1400, $0x38;
	[tilespmem:$0x1C600] =	vst v63  }
0x47: {  	_ = 	snop  }
0x48: {  	[spmem:s19] =	stream.linear.scatter [tilespmem:s26], [sflag:$0x6], $0x1400, $0x38;
	[tilespmem:$0x1C600] =	vst v63  }
0x49: {  	_ = 	snop  }
0x4a: {  	[spmem:s20] =	stream.linear.scatter [tilespmem:s26], [sflag:$0x6], $0x1400, $0x38;
	[tilespmem:$0x1C600] =	vst v63  }
0x4b: {  	_ = 	snop  }
0x4c: {  	[spmem:s21] =	stream.linear.scatter [tilespmem:s26], [sflag:$0x6], $0xC00, $0x38;
	[tilespmem:$0x1C600] =	vst v63  }
0x4d: {  	s14 =	simm.s32 @!p0 $0x7980  }
0x4e: {  	[spmem:s23] =	stream.linear.scatter @!p0 [tilespmem:s14], [sflag:$0x6], $0x800, $0x38;
	[tilespmem:$0x1C600] =	vst v63  }
0x4f: {  	_ =	swait.ge [sflag:s28], $0x2710  }
0x50: {  	[sflag:s28] =	ssyncset.done $0x0  }
0x51: {  	[sflag:s28] =	ssyncadd.s32 $0xFFFFD8F0  }
0x52: {  	v1 =	vld [tilespmem:$0x0];
	_ =	sdelay $0x1  }
0x53: {  	v2 =	vld [tilespmem:$0x10];
	_ =	sdelay $0x1  }
0x54: {  	v3 =	vld [tilespmem:$0x20]  }
0x55: {  	v4 =	vshra.s32 v1, $0xE  }
0x56: {  	v61 =	vld [tilespmem:$0x30];
	v1 =	vand.u32 $0x3FFF, v1;
	[tilespmem:$0x2780] =	vst v4  }
0x57: {  	[tilespmem:$0x2800] =	vst v1;
	v1 =	vshra.s32 v2, $0xE  }
0x58: {  	[tilespmem:$0x2790] =	vst v1;
	v1 =	vand.u32 $0x3FFF, v2;
	v2 =	vld [tilespmem:$0x40]  }
0x59: {  	[tilespmem:$0x2810] =	vst v1;
	v1 =	vshra.s32 v3, $0xE  }
0x5a: {  	[tilespmem:$0x27A0] =	vst v1;
	v1 =	vand.u32 $0x3FFF, v3  }
0x5b: {  	[tilespmem:$0x2820] =	vst v1;
	v1 =	vshra.s32 v61, $0xE  }
0x5c: {  	[tilespmem:$0x27B0] =	vst v1;
	v1 =	vand.u32 $0x3FFF, v61  }
0x5d: {  	[tilespmem:$0x2830] =	vst v1;
	v1 =	vshra.s32 v2, $0xE  }
0x5e: {  	[tilespmem:$0x27C0] =	vst v1;
	v1 =	vand.u32 $0x3FFF, v2  }
0x5f: {  	[tilespmem:$0x2840] =	vst v1  }
0x60: {  	[tilespmem:s31], [sflag:$0x1] =	stream.indirect.gather [hbm4b:s4+s29], $0x80, s30, s29, $0xb8;
	[tilespmem:$0x1C600] =	vst v63  }
0x61: {  	v1 =	vld [tilespmem:$0x50];
	_ =	sdelay $0x1  }
0x62: {  	v2 =	vld [tilespmem:$0x60];
	_ =	sdelay $0x1  }
0x63: {  	v3 =	vld [tilespmem:$0x70]  }
0x64: {  	v62 =	vshra.s32 v1, $0xE  }
0x65: {  	v63 =	vld [tilespmem:$0x80];
	v1 =	vand.u32 $0x3FFF, v1;
	[tilespmem:$0x2880] =	vst v62  }
0x66: {  	[tilespmem:$0x2900] =	vst v1;
	v1 =	vshra.s32 v2, $0xE  }
0x67: {  	[tilespmem:$0x2890] =	vst v1;
	v1 =	vand.u32 $0x3FFF, v2;
	v2 =	vld [tilespmem:$0x90]  }
0x68: {  	[tilespmem:$0x2910] =	vst v1;
	v1 =	vshra.s32 v3, $0xE  }
0x69: {  	[tilespmem:$0x28A0] =	vst v1;
	v1 =	vand.u32 $0x3FFF, v3  }
0x6a: {  	[tilespmem:$0x2920] =	vst v1;
	v1 =	vshra.s32 v63, $0xE  }
0x6b: {  	[tilespmem:$0x28B0] =	vst v1;
	v1 =	vand.u32 $0x3FFF, v63  }
0x6c: {  	[tilespmem:$0x2930] =	vst v1;
	v1 =	vshra.s32 v2, $0xE  }
0x6d: {  	[tilespmem:$0x28C0] =	vst v1;
	v1 =	vand.u32 $0x3FFF, v2  }
0x6e: {  	[tilespmem:$0x2940] =	vst v1  }
0x6f: {  	[tilespmem:s3], [sflag:$0x2] =	stream.indirect.gather [hbm4b:s4+s29], $0x80, s0, s29, $0xb8;
	[tilespmem:$0x1C600] =	vst v63  }
0x70: {  	_ =	swait.ge [sflag:s2], $0x1400  }
0x71: {  	[sflag:s2] =	ssyncset.done $0x0  }
0x72: {  	[sflag:s2] =	ssyncadd.s32 $0xFFFFEC00  }
0x73: {  	_ =	swait.ge [sflag:s2], $0x1400  }
0x74: {  	[sflag:s2] =	ssyncset.done $0x0  }
0x75: {  	[sflag:s2] =	ssyncadd.s32 $0xFFFFEC00  }
0x76: {  	_ =	swait.ge [sflag:s2], $0x1400  }
0x77: {  	[sflag:s2] =	ssyncset.done $0x0  }
0x78: {  	[sflag:s2] =	ssyncadd.s32 $0xFFFFEC00  }
0x79: {  	_ =	swait.ge [sflag:s2], $0x1400  }
0x7a: {  	[sflag:s2] =	ssyncset.done $0x0  }
0x7b: {  	[sflag:s2] =	ssyncadd.s32 $0xFFFFEC00  }
0x7c: {  	_ =	swait.ge [sflag:s2], $0x1400  }
0x7d: {  	[sflag:s2] =	ssyncset.done $0x0  }
0x7e: {  	[sflag:s2] =	ssyncadd.s32 $0xFFFFEC00  }
0x7f: {  	_ =	swait.ge [sflag:s2], $0x1400  }
0x80: {  	[sflag:s2] =	ssyncset.done $0x0  }
0x81: {  	[sflag:s2] =	ssyncadd.s32 $0xFFFFEC00  }
0x82: {  	_ =	swait.ge [sflag:s2], $0x1400  }
0x83: {  	[sflag:s2] =	ssyncset.done $0x0  }
0x84: {  	[sflag:s2] =	ssyncadd.s32 $0xFFFFEC00  }
0x85: {  	_ =	swait.ge [sflag:s2], $0x1400  }
0x86: {  	[sflag:s2] =	ssyncset.done $0x0  }
0x87: {  	[sflag:s2] =	ssyncadd.s32 $0xFFFFEC00  }
0x88: {  	_ =	swait.ge [sflag:s2], $0x1400  }
0x89: {  	[sflag:s2] =	ssyncset.done $0x0  }
0x8a: {  	[sflag:s2] =	ssyncadd.s32 $0xFFFFEC00  }
0x8b: {  	_ =	swait.ge [sflag:s2], $0x1400  }
0x8c: {  	[sflag:s2] =	ssyncset.done $0x0  }
0x8d: {  	[sflag:s2] =	ssyncadd.s32 $0xFFFFEC00  }
0x8e: {  	_ =	swait.ge [sflag:s2], $0x1400  }
0x8f: {  	[sflag:s2] =	ssyncset.done $0x0  }
0x90: {  	[sflag:s2] =	ssyncadd.s32 $0xFFFFEC00  }
0x91: {  	_ =	swait.ge [sflag:s2], $0x1400  }
0x92: {  	[sflag:s2] =	ssyncset.done $0x0  }
0x93: {  	[sflag:s2] =	ssyncadd.s32 $0xFFFFEC00  }
0x94: {  	_ =	swait.ge [sflag:s2], $0x1400  }
0x95: {  	[sflag:s2] =	ssyncset.done $0x0  }
0x96: {  	[sflag:s2] =	ssyncadd.s32 $0xFFFFEC00  }
0x97: {  	_ =	swait.ge [sflag:s2], $0x1400  }
0x98: {  	[sflag:s2] =	ssyncset.done $0x0  }
0x99: {  	[sflag:s2] =	ssyncadd.s32 $0xFFFFEC00  }
0x9a: {  	_ =	swait.ge [sflag:s2], $0x1400  }
0x9b: {  	[sflag:s2] =	ssyncset.done $0x0  }
0x9c: {  	[sflag:s2] =	ssyncadd.s32 $0xFFFFEC00  }
0x9d: {  	_ =	swait.ge [sflag:s2], $0xC00  }
0x9e: {  	[sflag:s2] =	ssyncset.done $0x0  }
0x9f: {  	s14 =	simm.s32 @!p0 $0x6;
	[sflag:s2] =	ssyncadd.s32 $0xFFFFF400  }
0xa0: {  	_ =	swait.ge @!p0 [sflag:s14], $0x800  }
0xa1: {  	[sflag:s14] =	ssyncset.done @!p0 $0x0  }
0xa2: {  	[sflag:s14] =	ssyncadd.s32 @!p0 $0xFFFFF800  }
0xa3: {  	[bflag:$0x0] =	sbarrier.arrive $0xFFFF  }
0xa4: {  	_ =	swait.ge [sflag:s5], $0x2800  }
0xa5: {  	[sflag:s5] =	ssyncset.done $0x0  }
0xa6: {  	[sflag:s5] =	ssyncadd.s32 $0xFFFFD800  }
0xa7: {  	[spmem:s1] =	stream.indirect.scatter.add.f32 [tilespmem:s31], [sflag:$0x3], $0x80, s7, s29, $0xb8;
	[tilespmem:$0x1C600] =	vst v63  }
0xa8: {  	_ =	swait.ge [sflag:s8], $0x2800  }
0xa9: {  	[sflag:s8] =	ssyncset.done $0x0  }
0xaa: {  	s15 =	simm.s32 $0x130;
	[sflag:s8] =	ssyncadd.s32 $0xFFFFD800  }
0xab: {  	v1 =	vld [tilespmem:s15+$0xFFFFFF70];
	_ =	sdelay $0x4  }
0xac: {  	v2 =	vshra.s32 v1, $0xE  }
0xad: {  	v1 =	vand.u32 $0x3FFF, v1;
	[tilespmem:$0x2780] =	vst v2  }
0xae: {  	[tilespmem:$0x2800] =	vst v1  }
0xaf: {  	v1 =	vld [tilespmem:s15+$0xFFFFFF80];
	_ =	sdelay $0x4  }
0xb0: {  	v2 =	vshra.s32 v1, $0xE  }
0xb1: {  	v1 =	vand.u32 $0x3FFF, v1;
	[tilespmem:$0x2790] =	vst v2  }
0xb2: {  	[tilespmem:$0x2810] =	vst v1  }
0xb3: {  	v1 =	vld [tilespmem:s15+$0xFFFFFF90];
	_ =	sdelay $0x4  }
0xb4: {  	v2 =	vshra.s32 v1, $0xE  }
0xb5: {  	v1 =	vand.u32 $0x3FFF, v1;
	[tilespmem:$0x27A0] =	vst v2  }
0xb6: {  	[tilespmem:$0x2820] =	vst v1  }
0xb7: {  	v1 =	vld [tilespmem:s15+$0xFFFFFFA0];
	_ =	sdelay $0x4  }
0xb8: {  	v2 =	vshra.s32 v1, $0xE  }
0xb9: {  	v1 =	vand.u32 $0x3FFF, v1;
	[tilespmem:$0x27B0] =	vst v2  }
0xba: {  	[tilespmem:$0x2830] =	vst v1  }
0xbb: {  	v1 =	vld [tilespmem:s15+$0xFFFFFFB0];
	_ =	sdelay $0x4  }
0xbc: {  	v2 =	vshra.s32 v1, $0xE  }
0xbd: {  	v1 =	vand.u32 $0x3FFF, v1;
	[tilespmem:$0x27C0] =	vst v2  }
0xbe: {  	[tilespmem:$0x2840] =	vst v1  }
0xbf: {  	[tilespmem:s31], [sflag:$0x1] =	stream.indirect.gather [hbm4b:s4+s29], $0x80, s30, s29, $0xb8;
	[tilespmem:$0x1C600] =	vst v63  }
0xc0: {  	_ =	swait.ge [sflag:s9], $0x2800  }
0xc1: {  	[sflag:s9] =	ssyncset.done $0x0  }
0xc2: {  	[sflag:s9] =	ssyncadd.s32 $0xFFFFD800  }
0xc3: {  	[spmem:s1] =	stream.indirect.scatter.add.f32 [tilespmem:s3], [sflag:$0x4], $0x80, s10, s29, $0xb8;
	[tilespmem:$0x1C600] =	vst v63  }
0xc4: {  	_ =	swait.ge [sflag:s11], $0x2800  }
0xc5: {  	[sflag:s11] =	ssyncset.done $0x0  }
0xc6: {  	[sflag:s11] =	ssyncadd.s32 $0xFFFFD800  }
0xc7: {  	v1 =	vld [tilespmem:s15+$0xFFFFFFC0];
	_ =	sdelay $0x4  }
0xc8: {  	v2 =	vshra.s32 v1, $0xE  }
0xc9: {  	v1 =	vand.u32 $0x3FFF, v1;
	[tilespmem:$0x2880] =	vst v2  }
0xca: {  	[tilespmem:$0x2900] =	vst v1  }
0xcb: {  	v1 =	vld [tilespmem:s15+$0xFFFFFFD0];
	_ =	sdelay $0x4  }
0xcc: {  	v2 =	vshra.s32 v1, $0xE  }
0xcd: {  	v1 =	vand.u32 $0x3FFF, v1;
	[tilespmem:$0x2890] =	vst v2  }
0xce: {  	[tilespmem:$0x2910] =	vst v1  }
0xcf: {  	v1 =	vld [tilespmem:s15+$0xFFFFFFE0];
	_ =	sdelay $0x4  }
0xd0: {  	v2 =	vshra.s32 v1, $0xE  }
0xd1: {  	v1 =	vand.u32 $0x3FFF, v1;
	[tilespmem:$0x28A0] =	vst v2  }
0xd2: {  	[tilespmem:$0x2920] =	vst v1  }
0xd3: {  	v1 =	vld [tilespmem:s15+$0xFFFFFFF0];
	_ =	sdelay $0x4  }
0xd4: {  	v2 =	vshra.s32 v1, $0xE  }
0xd5: {  	v1 =	vand.u32 $0x3FFF, v1;
	[tilespmem:$0x28B0] =	vst v2  }
0xd6: {  	[tilespmem:$0x2930] =	vst v1  }
0xd7: {  	s14 =	simm.s32 $0x740;
	v1 =	vld [tilespmem:s15+$0x0]  }
.LBB2_4:
0xd8: {  	_ = 	snop  }
0xd9: {  	p1 =	sne.s32 s14, $0x9AC0;
	s15 =	smov.u32 s14;
	s14 =	sadd.s32 $0x280, s14  }
0xda: {  	_ =	sdelay $0x1  }
0xdb: {  	v2 =	vshra.s32 v1, $0xE;
	v1 =	vand.u32 $0x3FFF, v1  }
0xdc: {  	[tilespmem:$0x28C0] =	vst v2  }
0xdd: {  	[tilespmem:$0x2940] =	vst v1  }
0xde: {  	[tilespmem:s3], [sflag:$0x2] =	stream.indirect.gather [hbm4b:s4+s29], $0x80, s0, s29, $0xb8;
	[tilespmem:$0x1C600] =	vst v63  }
0xdf: {  	_ =	swait.ge [sflag:s5], $0x2800  }
0xe0: {  	[sflag:s5] =	ssyncset.done $0x0  }
0xe1: {  	[sflag:s5] =	ssyncadd.s32 $0xFFFFD800  }
0xe2: {  	[spmem:s1] =	stream.indirect.scatter.add.f32 [tilespmem:s31], [sflag:$0x3], $0x80, s7, s29, $0xb8;
	[tilespmem:$0x1C600] =	vst v63  }
0xe3: {  	_ =	swait.ge [sflag:s8], $0x2800  }
0xe4: {  	[sflag:s8] =	ssyncset.done $0x0  }
0xe5: {  	s15 =	sshra.s32 s15, $0x2;
	[sflag:s8] =	ssyncadd.s32 $0xFFFFD800  }
0xe6: {  	v1 =	vld [tilespmem:s15+$0xFFFFFF70];
	_ =	sdelay $0x4  }
0xe7: {  	v2 =	vshra.s32 v1, $0xE;
	v1 =	vand.u32 $0x3FFF, v1  }
0xe8: {  	[tilespmem:$0x2780] =	vst v2  }
0xe9: {  	[tilespmem:$0x2800] =	vst v1  }
0xea: {  	v1 =	vld [tilespmem:s15+$0xFFFFFF80];
	_ =	sdelay $0x4  }
0xeb: {  	v2 =	vshra.s32 v1, $0xE;
	v1 =	vand.u32 $0x3FFF, v1  }
0xec: {  	[tilespmem:$0x2790] =	vst v2  }
0xed: {  	[tilespmem:$0x2810] =	vst v1  }
0xee: {  	v1 =	vld [tilespmem:s15+$0xFFFFFF90];
	_ =	sdelay $0x4  }
0xef: {  	v2 =	vshra.s32 v1, $0xE;
	v1 =	vand.u32 $0x3FFF, v1  }
0xf0: {  	[tilespmem:$0x27A0] =	vst v2  }
0xf1: {  	[tilespmem:$0x2820] =	vst v1  }
0xf2: {  	v1 =	vld [tilespmem:s15+$0xFFFFFFA0];
	_ =	sdelay $0x4  }
0xf3: {  	v2 =	vshra.s32 v1, $0xE;
	v1 =	vand.u32 $0x3FFF, v1  }
0xf4: {  	[tilespmem:$0x27B0] =	vst v2  }
0xf5: {  	[tilespmem:$0x2830] =	vst v1  }
0xf6: {  	v1 =	vld [tilespmem:s15+$0xFFFFFFB0];
	_ =	sdelay $0x4  }
0xf7: {  	v2 =	vshra.s32 v1, $0xE;
	v1 =	vand.u32 $0x3FFF, v1  }
0xf8: {  	[tilespmem:$0x27C0] =	vst v2  }
0xf9: {  	[tilespmem:$0x2840] =	vst v1  }
0xfa: {  	[tilespmem:s31], [sflag:$0x1] =	stream.indirect.gather [hbm4b:s4+s29], $0x80, s30, s29, $0xb8;
	[tilespmem:$0x1C600] =	vst v63  }
0xfb: {  	_ =	swait.ge [sflag:s9], $0x2800  }
0xfc: {  	[sflag:s9] =	ssyncset.done $0x0  }
0xfd: {  	[sflag:s9] =	ssyncadd.s32 $0xFFFFD800  }
0xfe: {  	[spmem:s1] =	stream.indirect.scatter.add.f32 [tilespmem:s3], [sflag:$0x4], $0x80, s10, s29, $0xb8;
	[tilespmem:$0x1C600] =	vst v63  }
0xff: {  	_ =	swait.ge [sflag:s11], $0x2800  }
0x100: {  	[sflag:s11] =	ssyncset.done $0x0  }
0x101: {  	[sflag:s11] =	ssyncadd.s32 $0xFFFFD800  }
0x102: {  	v1 =	vld [tilespmem:s15+$0xFFFFFFC0];
	_ =	sdelay $0x4  }
0x103: {  	v2 =	vshra.s32 v1, $0xE;
	v1 =	vand.u32 $0x3FFF, v1  }
0x104: {  	[tilespmem:$0x2880] =	vst v2  }
0x105: {  	[tilespmem:$0x2900] =	vst v1  }
0x106: {  	v1 =	vld [tilespmem:s15+$0xFFFFFFD0];
	_ =	sdelay $0x4  }
0x107: {  	v2 =	vshra.s32 v1, $0xE;
	v1 =	vand.u32 $0x3FFF, v1  }
0x108: {  	[tilespmem:$0x2890] =	vst v2  }
0x109: {  	[tilespmem:$0x2910] =	vst v1  }
0x10a: {  	v1 =	vld [tilespmem:s15+$0xFFFFFFE0];
	_ =	sdelay $0x4  }
0x10b: {  	v2 =	vshra.s32 v1, $0xE;
	v1 =	vand.u32 $0x3FFF, v1  }
0x10c: {  	[tilespmem:$0x28A0] =	vst v2  }
0x10d: {  	[tilespmem:$0x2920] =	vst v1  }
0x10e: {  	v1 =	vld [tilespmem:s15+$0xFFFFFFF0];
	_ =	sdelay $0x3  }
.Ltmp1:
0x10f: {  	(pc) =	sbr.rel @p1 .LBB2_4-.Ltmp1, $4  }
0x110: {  	v2 =	vshra.s32 v1, $0xE;
	v1 =	vand.u32 $0x3FFF, v1  }
0x111: {  	[tilespmem:$0x28B0] =	vst v2  }
0x112: {  	[tilespmem:$0x2930] =	vst v1  }
0x113: {  	v1 =	vld [tilespmem:s15+$0x0]  }
0x114: {  	_ =	sdelay $0x3  }
0x115: {  	v2 =	vshra.s32 v1, $0xE  }
0x116: {  	v1 =	vand.u32 $0x3FFF, v1;
	[tilespmem:$0x28C0] =	vst v2  }
0x117: {  	[tilespmem:$0x2940] =	vst v1  }
0x118: {  	[tilespmem:s3], [sflag:$0x2] =	stream.indirect.gather [hbm4b:s4+s29], $0x80, s0, s29, $0xb8;
	[tilespmem:$0x1C600] =	vst v63  }
0x119: {  	_ =	swait.ge [sflag:s5], $0x2800  }
0x11a: {  	[sflag:s5] =	ssyncset.done $0x0  }
0x11b: {  	[sflag:s5] =	ssyncadd.s32 $0xFFFFD800  }
0x11c: {  	[spmem:s1] =	stream.indirect.scatter.add.f32 [tilespmem:s31], [sflag:$0x3], $0x80, s7, s29, $0xb8;
	[tilespmem:$0x1C600] =	vst v63  }
0x11d: {  	_ =	swait.ge [sflag:s8], $0x2800  }
0x11e: {  	[sflag:s8] =	ssyncset.done $0x0  }
0x11f: {  	[sflag:s8] =	ssyncadd.s32 $0xFFFFD800  }
0x120: {  	v1 =	vld [tilespmem:$0x26C0];
	_ =	sdelay $0x1  }
0x121: {  	v2 =	vld [tilespmem:$0x26D0];
	_ =	sdelay $0x1  }
0x122: {  	v3 =	vld [tilespmem:$0x26E0]  }
0x123: {  	v4 =	vshra.s32 v1, $0xE  }
0x124: {  	v63 =	vld [tilespmem:$0x26F0];
	v1 =	vand.u32 $0x3FFF, v1;
	[tilespmem:$0x2780] =	vst v4  }
0x125: {  	[tilespmem:$0x2800] =	vst v1;
	v1 =	vshra.s32 v2, $0xE  }
0x126: {  	[tilespmem:$0x2790] =	vst v1;
	v1 =	vand.u32 $0x3FFF, v2;
	v2 =	vld [tilespmem:$0x2700]  }
0x127: {  	[tilespmem:$0x2810] =	vst v1;
	v1 =	vshra.s32 v3, $0xE  }
0x128: {  	[tilespmem:$0x27A0] =	vst v1;
	v1 =	vand.u32 $0x3FFF, v3  }
0x129: {  	[tilespmem:$0x2820] =	vst v1;
	v1 =	vshra.s32 v63, $0xE  }
0x12a: {  	[tilespmem:$0x27B0] =	vst v1;
	v1 =	vand.u32 $0x3FFF, v63  }
0x12b: {  	[tilespmem:$0x2830] =	vst v1;
	v1 =	vshra.s32 v2, $0xE  }
0x12c: {  	[tilespmem:$0x27C0] =	vst v1;
	v1 =	vand.u32 $0x3FFF, v2  }
0x12d: {  	[tilespmem:$0x2840] =	vst v1  }
0x12e: {  	[tilespmem:s31], [sflag:$0x1] =	stream.indirect.gather [hbm4b:s4+s29], $0x80, s30, s29, $0xb8;
	[tilespmem:$0x1C600] =	vst v63  }
0x12f: {  	_ =	swait.ge [sflag:s9], $0x2800  }
0x130: {  	[sflag:s9] =	ssyncset.done $0x0  }
0x131: {  	[sflag:s9] =	ssyncadd.s32 $0xFFFFD800  }
0x132: {  	[spmem:s1] =	stream.indirect.scatter.add.f32 [tilespmem:s3], [sflag:$0x4], $0x80, s10, s29, $0xb8;
	[tilespmem:$0x1C600] =	vst v63  }
0x133: {  	_ =	swait.ge [sflag:s11], $0x2800  }
0x134: {  	[sflag:s11] =	ssyncset.done $0x0  }
0x135: {  	[sflag:s11] =	ssyncadd.s32 $0xFFFFD800  }
0x136: {  	_ =	swait.ge [sflag:s5], $0x2800  }
0x137: {  	[sflag:s5] =	ssyncset.done $0x0  }
0x138: {  	[sflag:s5] =	ssyncadd.s32 $0xFFFFD800  }
0x139: {  	[spmem:s1] =	stream.indirect.scatter.add.f32 [tilespmem:s31], [sflag:$0x3], $0x80, s7, s29, $0xb8;
	[tilespmem:$0x1C600] =	vst v63  }
0x13a: {  	_ =	swait.ge [sflag:s8], $0x2800  }
0x13b: {  	s14 =	stileid.u32;
	[sflag:s8] =	ssyncset.done $0x0  }
0x13c: {  	s14 =	sshll.u32 s14, $0x6;
	[sflag:s8] =	ssyncadd.s32 $0xFFFFD800  }
0x13d: {  	s15 =	sshrl.u32 s6, $0x3;
	s14 =	sor.u32 $0x1C07, s14;
	[bflag:$0x0] =	sbarrier.arrive $0xFFFF  }
0x13e: {  	[hbm:s22], [sflag:s14] =	dma.local [spmem:s15], $0x2700  }
0x13f: {  	_ =	swait.ge [sflag:s12], $0x2700  }
0x140: {  	s13 =	sadd.s32 $0x1, s13;
	[sflag:s12] =	ssyncset.done $0x0  }
0x141: {  	p1 =	sne.s32 s13, s25;
	s15 =	sshrl.u32 @!p0 s23, $0x3;
	[sflag:s12] =	ssyncadd.s32 $0xFFFFD900  }
0x142: {  	[hbm:s24], [sflag:s14] =	dma.local @!p0 [spmem:s15], $0x100  }
.Ltmp2:
0x143: {  	_ = 	snop;
	(pc) =	sbr.rel @p1 .LBB2_1-.Ltmp2, $4  }
0x144: {  	s14 =	simm.s32 @!p0 $0x7  }
0x145: {  	_ =	swait.ge @!p0 [sflag:s14], $0x100  }
0x146: {  	[sflag:s14] =	ssyncset.done @!p0 $0x0  }
0x147: {  	[sflag:s14] =	ssyncadd.s32 @!p0 $0xFFFFFF00  }
0x148: {  	_ =	sfence.sel $0x180000  }
0x149: {  	[bflag:$0x0] =	sbarrier.arrive $0xFFFF  }
0x14a: {  	_ =	strace $0x90000047  }
0x14b: {  	s0 =	stileid.u32;
	[bflag:$0x2] =	sbarrier.arrive $0xFFFF  }
0x14c: {  	p0 =	sne.s32 s0, $0x0;
	s0 =	rddreg [dreg:$0x3]  }
0x14d: {  	s0 =	sadd.s32 @!p0 $0x100000, s0  }
0x14e: {  	[sflag:s0] =	ssyncadd.tile.s32 @!p0 $0x1;
	_ =	shalt  }
.Lfunc_end2:
_tile_overlayer_lowered:
.L_overlay_start_2:
0x14f: {  	(tag) =	ssettag $0x2  }
0x150: {  	s0 =	rddreg [dreg:$0x0];
	s2 =	stileid.u32  }
0x151: {  	s1 =	rddreg [dreg:$0x1];
	p0 =	sne.s32 s2, $0x0  }
0x152: {  	s3 =	rddreg [dreg:$0x2];
	[bflag:$0x3] =	sbarrier.arrive $0xFFFF;
	s2 =	simm.s32 @!p0 $0x1C07  }
0x153: {  	[timem:s3], [sflag:s2] =	dma.local @!p0 [hbm:s0], s1  }
0x154: {  	s0 =	simm.s32 @!p0 $0x7  }
0x155: {  	_ =	swait.ge @!p0 [sflag:s0], s1  }
0x156: {  	s1 =	ssub.s32 @!p0 $0x0, s1;
	[sflag:s0] =	ssyncset.done @!p0 $0x0  }
0x157: {  	[sflag:s0] =	ssyncadd.s32 @!p0 s1  }
0x158: {  	[bflag:$0x3] =	sbarrier.arrive $0xFFFF  }
0x159: {  	_ =	shalt  }

</sc_bundles>
